<compile_context>
chip_gen: v7x
topology: tpu7x:2x2x1
jax: 0.10.2.dev20260603
libtpu: 0.0.44.dev20260713+nightly
codegen_flags: <defaults>
</compile_context>

<pallas_src>
import functools

import jax
import jax.numpy as jnp
from jax import lax
from jax.experimental import pallas as pl
from jax.experimental.pallas import tpu as pltpu
from jax.experimental.pallas import tpu_sc as plsc

VOCAB = 1000
VMAIN = 896
VTAILP = 128
B, T = 1024, 50
TPAD = 56
NC, NS = 2, 16
NW = NC * NS
B_PER_W = B // NW
NBUF = 2

_mesh = plsc.VectorSubcoreMesh(
    core_axis_name="c", subcore_axis_name="s", num_cores=NC, num_subcores=NS
)


@functools.partial(
    pl.kernel,
    out_type=jax.ShapeDtypeStruct((B, T, VOCAB), jnp.float32),
    mesh=_mesh,
    scratch_types=[
        pltpu.VMEM((NBUF, 1, TPAD), jnp.int32),
        pltpu.VMEM((NBUF, TPAD, VMAIN), jnp.float32),
        pltpu.VMEM((NBUF, TPAD, VTAILP), jnp.float32),
        pltpu.SemaphoreType.DMA((NBUF,)),
        pltpu.SemaphoreType.DMA((NBUF,)),
        pltpu.SemaphoreType.DMA((NBUF,)),
        pltpu.SemaphoreType.DMA((NBUF,)),
    ],
)
def _gather_kernel(idx_hbm, tmain_hbm, ttail_hbm, out_hbm, idx_v, bufm, buft,
                   isem, gmsem, gtsem, ssem):
    wid = lax.axis_index("s") * NC + lax.axis_index("c")
    base = wid * B_PER_W

    def start_idx(j, nb):
        pltpu.async_copy(idx_hbm.at[base + j], idx_v.at[nb], isem.at[nb])

    def wait_idx(j, nb):
        pltpu.make_async_copy(
            idx_hbm.at[base + j], idx_v.at[nb], isem.at[nb]
        ).wait()

    def start_gathers(j, nb):
        pltpu.async_copy(
            tmain_hbm.at[idx_v.at[nb, 0]], bufm.at[nb], gmsem.at[nb]
        )
        pltpu.async_copy(
            ttail_hbm.at[idx_v.at[nb, 0]], buft.at[nb], gtsem.at[nb]
        )

    def wait_gathers(j, nb):
        pltpu.make_async_copy(
            tmain_hbm.at[idx_v.at[nb, 0]], bufm.at[nb], gmsem.at[nb]
        ).wait()
        pltpu.make_async_copy(
            ttail_hbm.at[idx_v.at[nb, 0]], buft.at[nb], gtsem.at[nb]
        ).wait()

    def scatter_parts(j, nb):
        t48 = pl.multiple_of(48 + 0 * j, 8)
        c896 = pl.multiple_of(VMAIN + 0 * j, 128)
        b = base + j
        return (
            (bufm.at[nb, pl.ds(0, 48)],
             out_hbm.at[b, pl.ds(0, 48), pl.ds(0, VMAIN)]),
            (bufm.at[nb, pl.ds(48, 8)],
             out_hbm.at[b, pl.ds(t48, 8), pl.ds(0, VMAIN)]),
            (buft.at[nb, pl.ds(0, 48)],
             out_hbm.at[b, pl.ds(0, 48), pl.ds(c896, VTAILP)]),
            (buft.at[nb, pl.ds(48, 8)],
             out_hbm.at[b, pl.ds(t48, 8), pl.ds(c896, VTAILP)]),
        )

    def start_scatters(j, nb):
        for src, dst in scatter_parts(j, nb):
            pltpu.async_copy(src, dst, ssem.at[nb])

    def wait_scatters(j, nb):
        for src, dst in scatter_parts(j, nb):
            pltpu.make_async_copy(src, dst, ssem.at[nb]).wait()

    start_idx(0, 0)
    start_idx(1, 1)
    wait_idx(0, 0)
    start_gathers(0, 0)

    wait_gathers(0, 0)
    start_scatters(0, 0)
    start_idx(2, 0)
    wait_idx(1, 1)
    start_gathers(1, 1)

    def body(j, carry):
        nb = lax.rem(j, 2)
        pb = lax.rem(j + 1, 2)
        wait_gathers(j, nb)
        start_scatters(j, nb)
        start_idx(j + 2, nb)
        wait_scatters(j - 1, pb)
        wait_idx(j + 1, pb)
        start_gathers(j + 1, pb)
        return carry

    lax.fori_loop(1, B_PER_W - 2, body, 0)

    j = B_PER_W - 2
    nb, pb = j % 2, (j + 1) % 2
    wait_gathers(j, nb)
    start_scatters(j, nb)
    wait_scatters(j - 1, pb)
    wait_idx(j + 1, pb)
    start_gathers(j + 1, pb)

    j = B_PER_W - 1
    nb, pb = j % 2, (j + 1) % 2
    wait_gathers(j, nb)
    start_scatters(j, nb)
    wait_scatters(j - 1, pb)
    wait_scatters(j, nb)


def kernel(idx, table):
    tmain = table[:, :VMAIN]
    ttail = jnp.pad(table[:, VMAIN:], ((0, 0), (0, VTAILP - (VOCAB - VMAIN))))
    idx_p = jnp.pad(idx, ((0, 0), (0, TPAD - T))).reshape(B, 1, TPAD)
    return _gather_kernel(idx_p, tmain, ttail)

# --- scband reference (transcript-rebuilt; emitter-appended) ---
"""Pipeline reference for scband-bigram-lanuage-model-6262062317577 (READ-ONLY COPY).

The authoritative reference and input builder live on the scoring server;
editing this copy changes nothing except your own understanding.
"""

import jax, jax.numpy as jnp
import numpy as np

VOCAB = 1000
B, T = 1024, 50


def setup_inputs(seed: int = 0) -> dict:
    key = jax.random.key(seed)
    k1, k2 = jax.random.split(key)
    idx = jax.random.randint(k1, (B, T), 0, VOCAB, dtype=jnp.int32)
    # Learned parameter: bigram embedding table [var_size, var_size]
    table = jax.random.normal(k2, (VOCAB, VOCAB), dtype=jnp.float32) * 0.02
    return {"idx": idx, "table": table}


def reference(idx, table):
    # BigramLanuageModel.forward with target=None:
    #   logits = self.embedding(idx)  -> gather rows of the table
    #   loss = None
    logits = jnp.take(table, idx, axis=0)  # [B, T, VOCAB]
    return logits

if __name__ == "__main__":
    import jax
    _d = setup_inputs()
    print(jax.jit(kernel)(*tuple(_d.values())))

</pallas_src>

<mosaic_0001>
#map = affine_map<(d0, d1) -> (0, 0, 0)>
#map1 = affine_map<(d0, d1) -> (0, 0)>
module attributes {stable_mosaic.version = 14 : i64} {
  func.func @_gather_kernel(%arg0: i32, %arg1: i32, %arg2: memref<1024x1x56xi32, #tpu.memory_space<hbm>>, %arg3: memref<1000x896xf32, #tpu.memory_space<hbm>>, %arg4: memref<1000x128xf32, #tpu.memory_space<hbm>>, %arg5: memref<1024x50x1000xf32, #tpu.memory_space<hbm>>, %arg6: memref<2x1x56xi32, #tpu.memory_space<vmem>>, %arg7: memref<2x56x896xf32, #tpu.memory_space<vmem>>, %arg8: memref<2x56x128xf32, #tpu.memory_space<vmem>>, %arg9: memref<2x!tpu.dma_semaphore, #tpu.memory_space<semaphore_mem>>, %arg10: memref<2x!tpu.dma_semaphore, #tpu.memory_space<semaphore_mem>>, %arg11: memref<2x!tpu.dma_semaphore, #tpu.memory_space<semaphore_mem>>, %arg12: memref<2x!tpu.dma_semaphore, #tpu.memory_space<semaphore_mem>>) attributes {dimension_semantics = [#tpu.dimension_semantics<core_parallel>, #tpu.dimension_semantics<subcore_parallel>], iteration_bounds = array<i64: 2, 16>, scalar_prefetch = 0 : i64, scratch_operands = 7 : i64, tpu.core_type = #tpu.core_type<sc_vector_subcore>, window_params = [{transform_indices = #map}, {transform_indices = #map1}, {transform_indices = #map1}, {transform_indices = #map}]} {
    %mul3A = arith.constant 2 : i32
    %mul3A_0 = arith.muli %arg1, %mul3A : i32
    %add3A = arith.addi %mul3A_0, %arg0 : i32
    %mul3A_1 = arith.constant 32 : i32
    %mul3A_2 = arith.muli %add3A, %mul3A_1 : i32
    %add3A_3 = arith.constant 0 : i32
    %add3A_4 = arith.addi %mul3A_2, %add3A_3 : i32
    %dma_start3A = arith.constant 0 : i32
    %dma_start3A_5 = arith.constant 0 : i32
    %dma_start3A_6 = arith.constant 0 : i32
    %dma_start3A_7 = arith.constant 0 : i32
    %dma_start3A_8 = tpu.memref_slice %arg6[%dma_start3A, %dma_start3A_6, %dma_start3A_7] : memref<2x1x56xi32, #tpu.memory_space<vmem>> -> memref<1x1x56xi32, #tpu.memory_space<vmem>>
    %dma_start3A_9 = tpu.memref_squeeze %dma_start3A_8 : memref<1x1x56xi32, #tpu.memory_space<vmem>> -> memref<1x56xi32, #tpu.memory_space<vmem>>
    %dma_start3A_10 = arith.constant 0 : i32
    %dma_start3A_11 = arith.constant 0 : i32
    %dma_start3A_12 = tpu.memref_slice %arg2[%add3A_4, %dma_start3A_10, %dma_start3A_11] : memref<1024x1x56xi32, #tpu.memory_space<hbm>> -> memref<1x1x56xi32, #tpu.memory_space<hbm>>
    %dma_start3A_13 = tpu.memref_squeeze %dma_start3A_12 : memref<1x1x56xi32, #tpu.memory_space<hbm>> -> memref<1x56xi32, #tpu.memory_space<hbm>>
    %dma_start3A_14 = tpu.memref_slice %arg9[%dma_start3A_5] : memref<2x!tpu.dma_semaphore, #tpu.memory_space<semaphore_mem>> -> memref<1x!tpu.dma_semaphore, #tpu.memory_space<semaphore_mem>>
    %dma_start3A_15 = tpu.memref_squeeze %dma_start3A_14 : memref<1x!tpu.dma_semaphore, #tpu.memory_space<semaphore_mem>> -> memref<!tpu.dma_semaphore, #tpu.memory_space<semaphore_mem>>
    %dma_start3A_16 = arith.constant 0 : i32
    %dma_start3A_17 = arith.constant 0 : i32
    %dma_start3A_18 = tpu.memref_slice %arg6[%dma_start3A, %dma_start3A_16, %dma_start3A_17] : memref<2x1x56xi32, #tpu.memory_space<vmem>> -> memref<1x1x56xi32, #tpu.memory_space<vmem>>
    %dma_start3A_19 = tpu.memref_squeeze %dma_start3A_18 : memref<1x1x56xi32, #tpu.memory_space<vmem>> -> memref<1x56xi32, #tpu.memory_space<vmem>>
    %dma_start3A_20 = arith.constant 0 : i32
    %dma_start3A_21 = arith.constant 0 : i32
    %dma_start3A_22 = tpu.memref_slice %arg2[%add3A_4, %dma_start3A_20, %dma_start3A_21] : memref<1024x1x56xi32, #tpu.memory_space<hbm>> -> memref<1x1x56xi32, #tpu.memory_space<hbm>>
    %dma_start3A_23 = tpu.memref_squeeze %dma_start3A_22 : memref<1x1x56xi32, #tpu.memory_space<hbm>> -> memref<1x56xi32, #tpu.memory_space<hbm>>
    tpu.enqueue_dma source(%dma_start3A_23 : memref<1x56xi32, #tpu.memory_space<hbm>>) target(%dma_start3A_19 : memref<1x56xi32, #tpu.memory_space<vmem>>) target_semaphore(%dma_start3A_15 : memref<!tpu.dma_semaphore, #tpu.memory_space<semaphore_mem>>)
    %add3A_24 = arith.constant 1 : i32
    %add3A_25 = arith.addi %mul3A_2, %add3A_24 : i32
    %dma_start3A_26 = arith.constant 1 : i32
    %dma_start3A_27 = arith.constant 1 : i32
    %dma_start3A_28 = arith.constant 0 : i32
    %dma_start3A_29 = arith.constant 0 : i32
    %dma_start3A_30 = tpu.memref_slice %arg6[%dma_start3A_26, %dma_start3A_28, %dma_start3A_29] : memref<2x1x56xi32, #tpu.memory_space<vmem>> -> memref<1x1x56xi32, #tpu.memory_space<vmem>>
    %dma_start3A_31 = tpu.memref_squeeze %dma_start3A_30 : memref<1x1x56xi32, #tpu.memory_space<vmem>> -> memref<1x56xi32, #tpu.memory_space<vmem>>
    %dma_start3A_32 = arith.constant 0 : i32
    %dma_start3A_33 = arith.constant 0 : i32
    %dma_start3A_34 = tpu.memref_slice %arg2[%add3A_25, %dma_start3A_32, %dma_start3A_33] : memref<1024x1x56xi32, #tpu.memory_space<hbm>> -> memref<1x1x56xi32, #tpu.memory_space<hbm>>
    %dma_start3A_35 = tpu.memref_squeeze %dma_start3A_34 : memref<1x1x56xi32, #tpu.memory_space<hbm>> -> memref<1x56xi32, #tpu.memory_space<hbm>>
    %dma_start3A_36 = tpu.memref_slice %arg9[%dma_start3A_27] : memref<2x!tpu.dma_semaphore, #tpu.memory_space<semaphore_mem>> -> memref<1x!tpu.dma_semaphore, #tpu.memory_space<semaphore_mem>>
    %dma_start3A_37 = tpu.memref_squeeze %dma_start3A_36 : memref<1x!tpu.dma_semaphore, #tpu.memory_space<semaphore_mem>> -> memref<!tpu.dma_semaphore, #tpu.memory_space<semaphore_mem>>
    %dma_start3A_38 = arith.constant 0 : i32
    %dma_start3A_39 = arith.constant 0 : i32
    %dma_start3A_40 = tpu.memref_slice %arg6[%dma_start3A_26, %dma_start3A_38, %dma_start3A_39] : memref<2x1x56xi32, #tpu.memory_space<vmem>> -> memref<1x1x56xi32, #tpu.memory_space<vmem>>
    %dma_start3A_41 = tpu.memref_squeeze %dma_start3A_40 : memref<1x1x56xi32, #tpu.memory_space<vmem>> -> memref<1x56xi32, #tpu.memory_space<vmem>>
    %dma_start3A_42 = arith.constant 0 : i32
    %dma_start3A_43 = arith.constant 0 : i32
    %dma_start3A_44 = tpu.memref_slice %arg2[%add3A_25, %dma_start3A_42, %dma_start3A_43] : memref<1024x1x56xi32, #tpu.memory_space<hbm>> -> memref<1x1x56xi32, #tpu.memory_space<hbm>>
    %dma_start3A_45 = tpu.memref_squeeze %dma_start3A_44 : memref<1x1x56xi32, #tpu.memory_space<hbm>> -> memref<1x56xi32, #tpu.memory_space<hbm>>
    tpu.enqueue_dma source(%dma_start3A_45 : memref<1x56xi32, #tpu.memory_space<hbm>>) target(%dma_start3A_41 : memref<1x56xi32, #tpu.memory_space<vmem>>) target_semaphore(%dma_start3A_37 : memref<!tpu.dma_semaphore, #tpu.memory_space<semaphore_mem>>)
    %add3A_46 = arith.constant 0 : i32
    %add3A_47 = arith.addi %mul3A_2, %add3A_46 : i32
    %dma_wait3A = arith.constant 0 : i32
    %dma_wait3A_48 = arith.constant 0 : i32
    %dma_wait3A_49 = arith.constant 0 : i32
    %dma_wait3A_50 = arith.constant 0 : i32
    %dma_wait3A_51 = tpu.memref_slice %arg6[%dma_wait3A, %dma_wait3A_49, %dma_wait3A_50] : memref<2x1x56xi32, #tpu.memory_space<vmem>> -> memref<1x1x56xi32, #tpu.memory_space<vmem>>
    %dma_wait3A_52 = tpu.memref_squeeze %dma_wait3A_51 : memref<1x1x56xi32, #tpu.memory_space<vmem>> -> memref<1x56xi32, #tpu.memory_space<vmem>>
    %dma_wait3A_53 = arith.constant 0 : i32
    %dma_wait3A_54 = arith.constant 0 : i32
    %dma_wait3A_55 = tpu.memref_slice %arg2[%add3A_47, %dma_wait3A_53, %dma_wait3A_54] : memref<1024x1x56xi32, #tpu.memory_space<hbm>> -> memref<1x1x56xi32, #tpu.memory_space<hbm>>
    %dma_wait3A_56 = tpu.memref_squeeze %dma_wait3A_55 : memref<1x1x56xi32, #tpu.memory_space<hbm>> -> memref<1x56xi32, #tpu.memory_space<hbm>>
    %dma_wait3A_57 = tpu.memref_slice %arg9[%dma_wait3A_48] : memref<2x!tpu.dma_semaphore, #tpu.memory_space<semaphore_mem>> -> memref<1x!tpu.dma_semaphore, #tpu.memory_space<semaphore_mem>>
    %dma_wait3A_58 = tpu.memref_squeeze %dma_wait3A_57 : memref<1x!tpu.dma_semaphore, #tpu.memory_space<semaphore_mem>> -> memref<!tpu.dma_semaphore, #tpu.memory_space<semaphore_mem>>
    %dma_wait3A_59 = arith.constant 0 : i32
    %dma_wait3A_60 = arith.constant 0 : i32
    %dma_wait3A_61 = tpu.memref_slice %arg6[%dma_wait3A, %dma_wait3A_59, %dma_wait3A_60] : memref<2x1x56xi32, #tpu.memory_space<vmem>> -> memref<1x1x56xi32, #tpu.memory_space<vmem>>
    %dma_wait3A_62 = tpu.memref_squeeze %dma_wait3A_61 : memref<1x1x56xi32, #tpu.memory_space<vmem>> -> memref<1x56xi32, #tpu.memory_space<vmem>>
    %dma_wait3A_63 = arith.constant 0 : i32
    %dma_wait3A_64 = arith.constant 0 : i32
    %dma_wait3A_65 = tpu.memref_slice %arg2[%add3A_47, %dma_wait3A_63, %dma_wait3A_64] : memref<1024x1x56xi32, #tpu.memory_space<hbm>> -> memref<1x1x56xi32, #tpu.memory_space<hbm>>
    %dma_wait3A_66 = tpu.memref_squeeze %dma_wait3A_65 : memref<1x1x56xi32, #tpu.memory_space<hbm>> -> memref<1x56xi32, #tpu.memory_space<hbm>>
    tpu.wait_dma2 semaphore(%dma_wait3A_58 : memref<!tpu.dma_semaphore, #tpu.memory_space<semaphore_mem>>) src(%dma_wait3A_66 : memref<1x56xi32, #tpu.memory_space<hbm>>) dst(%dma_wait3A_62 : memref<1x56xi32, #tpu.memory_space<vmem>>)
    %dma_start3A_67 = arith.constant 0 : i32
    %dma_start3A_68 = arith.constant 0 : i32
    %dma_start3A_69 = arith.constant 0 : i32
    %dma_start3A_70 = arith.constant 0 : i32
    %dma_start3A_71 = arith.constant 0 : i32
    %dma_start3A_72 = arith.constant 0 : i32
    %dma_start3A_73 = tpu.memref_slice %arg7[%dma_start3A_69, %dma_start3A_71, %dma_start3A_72] : memref<2x56x896xf32, #tpu.memory_space<vmem>> -> memref<1x56x896xf32, #tpu.memory_space<vmem>>
    %dma_start3A_74 = tpu.memref_squeeze %dma_start3A_73 : memref<1x56x896xf32, #tpu.memory_space<vmem>> -> memref<56x896xf32, #tpu.memory_space<vmem>>
    %dma_start3A_75 = arith.constant 0 : i32
    %dma_start3A_76 = tpu.memref_slice %arg6[%dma_start3A_67, %dma_start3A_68, %dma_start3A_75] : memref<2x1x56xi32, #tpu.memory_space<vmem>> -> memref<1x1x56xi32, #tpu.memory_space<vmem>>
    %dma_start3A_77 = tpu.memref_squeeze %dma_start3A_76 : memref<1x1x56xi32, #tpu.memory_space<vmem>> -> memref<56xi32, #tpu.memory_space<vmem>>
    %dma_start3A_78 = arith.constant 0 : i32
    %dma_start3A_79 = arith.constant 0 : i32
    %dma_start3A_80 = tpu.memref_slice %arg3[%dma_start3A_78, %dma_start3A_79] : memref<1000x896xf32, #tpu.memory_space<hbm>> -> memref<1000x896xf32, #tpu.memory_space<hbm>>
    %dma_start3A_81 = tpu.memref_slice %arg10[%dma_start3A_70] : memref<2x!tpu.dma_semaphore, #tpu.memory_space<semaphore_mem>> -> memref<1x!tpu.dma_semaphore, #tpu.memory_space<semaphore_mem>>
    %dma_start3A_82 = tpu.memref_squeeze %dma_start3A_81 : memref<1x!tpu.dma_semaphore, #tpu.memory_space<semaphore_mem>> -> memref<!tpu.dma_semaphore, #tpu.memory_space<semaphore_mem>>
    tpu.enqueue_indirect_dma source(%dma_start3A_80 : memref<1000x896xf32, #tpu.memory_space<hbm>>) target(%dma_start3A_74 : memref<56x896xf32, #tpu.memory_space<vmem>>) offsets(%dma_start3A_77 : memref<56xi32, #tpu.memory_space<vmem>>) semaphore(%dma_start3A_82 : memref<!tpu.dma_semaphore, #tpu.memory_space<semaphore_mem>>)
    %dma_start3A_83 = arith.constant 0 : i32
    %dma_start3A_84 = arith.constant 0 : i32
    %dma_start3A_85 = arith.constant 0 : i32
    %dma_start3A_86 = arith.constant 0 : i32
    %dma_start3A_87 = arith.constant 0 : i32
    %dma_start3A_88 = arith.constant 0 : i32
    %dma_start3A_89 = tpu.memref_slice %arg8[%dma_start3A_85, %dma_start3A_87, %dma_start3A_88] : memref<2x56x128xf32, #tpu.memory_space<vmem>> -> memref<1x56x128xf32, #tpu.memory_space<vmem>>
    %dma_start3A_90 = tpu.memref_squeeze %dma_start3A_89 : memref<1x56x128xf32, #tpu.memory_space<vmem>> -> memref<56x128xf32, #tpu.memory_space<vmem>>
    %dma_start3A_91 = arith.constant 0 : i32
    %dma_start3A_92 = tpu.memref_slice %arg6[%dma_start3A_83, %dma_start3A_84, %dma_start3A_91] : memref<2x1x56xi32, #tpu.memory_space<vmem>> -> memref<1x1x56xi32, #tpu.memory_space<vmem>>
    %dma_start3A_93 = tpu.memref_squeeze %dma_start3A_92 : memref<1x1x56xi32, #tpu.memory_space<vmem>> -> memref<56xi32, #tpu.memory_space<vmem>>
    %dma_start3A_94 = arith.constant 0 : i32
    %dma_start3A_95 = arith.constant 0 : i32
    %dma_start3A_96 = tpu.memref_slice %arg4[%dma_start3A_94, %dma_start3A_95] : memref<1000x128xf32, #tpu.memory_space<hbm>> -> memref<1000x128xf32, #tpu.memory_space<hbm>>
    %dma_start3A_97 = tpu.memref_slice %arg11[%dma_start3A_86] : memref<2x!tpu.dma_semaphore, #tpu.memory_space<semaphore_mem>> -> memref<1x!tpu.dma_semaphore, #tpu.memory_space<semaphore_mem>>
    %dma_start3A_98 = tpu.memref_squeeze %dma_start3A_97 : memref<1x!tpu.dma_semaphore, #tpu.memory_space<semaphore_mem>> -> memref<!tpu.dma_semaphore, #tpu.memory_space<semaphore_mem>>
    tpu.enqueue_indirect_dma source(%dma_start3A_96 : memref<1000x128xf32, #tpu.memory_space<hbm>>) target(%dma_start3A_90 : memref<56x128xf32, #tpu.memory_space<vmem>>) offsets(%dma_start3A_93 : memref<56xi32, #tpu.memory_space<vmem>>) semaphore(%dma_start3A_98 : memref<!tpu.dma_semaphore, #tpu.memory_space<semaphore_mem>>)
    %dma_wait3A_99 = arith.constant 0 : i32
    %dma_wait3A_100 = arith.constant 0 : i32
    %dma_wait3A_101 = arith.constant 0 : i32
    %dma_wait3A_102 = arith.constant 0 : i32
    %dma_wait3A_103 = arith.constant 0 : i32
    %dma_wait3A_104 = arith.constant 0 : i32
    %dma_wait3A_105 = tpu.memref_slice %arg7[%dma_wait3A_101, %dma_wait3A_103, %dma_wait3A_104] : memref<2x56x896xf32, #tpu.memory_space<vmem>> -> memref<1x56x896xf32, #tpu.memory_space<vmem>>
    %dma_wait3A_106 = tpu.memref_squeeze %dma_wait3A_105 : memref<1x56x896xf32, #tpu.memory_space<vmem>> -> memref<56x896xf32, #tpu.memory_space<vmem>>
    %dma_wait3A_107 = arith.constant 0 : i32
    %dma_wait3A_108 = tpu.memref_slice %arg6[%dma_wait3A_99, %dma_wait3A_100, %dma_wait3A_107] : memref<2x1x56xi32, #tpu.memory_space<vmem>> -> memref<1x1x56xi32, #tpu.memory_space<vmem>>
    %dma_wait3A_109 = tpu.memref_squeeze %dma_wait3A_108 : memref<1x1x56xi32, #tpu.memory_space<vmem>> -> memref<56xi32, #tpu.memory_space<vmem>>
    %dma_wait3A_110 = arith.constant 0 : i32
    %dma_wait3A_111 = arith.constant 0 : i32
    %dma_wait3A_112 = tpu.memref_slice %arg3[%dma_wait3A_110, %dma_wait3A_111] : memref<1000x896xf32, #tpu.memory_space<hbm>> -> memref<1000x896xf32, #tpu.memory_space<hbm>>
    %dma_wait3A_113 = tpu.memref_slice %arg10[%dma_wait3A_102] : memref<2x!tpu.dma_semaphore, #tpu.memory_space<semaphore_mem>> -> memref<1x!tpu.dma_semaphore, #tpu.memory_space<semaphore_mem>>
    %dma_wait3A_114 = tpu.memref_squeeze %dma_wait3A_113 : memref<1x!tpu.dma_semaphore, #tpu.memory_space<semaphore_mem>> -> memref<!tpu.dma_semaphore, #tpu.memory_space<semaphore_mem>>
    tpu.wait_indirect_dma semaphore(%dma_wait3A_114 : memref<!tpu.dma_semaphore, #tpu.memory_space<semaphore_mem>>) src(%dma_wait3A_112 : memref<1000x896xf32, #tpu.memory_space<hbm>>) dst(%dma_wait3A_106 : memref<56x896xf32, #tpu.memory_space<vmem>>)
    %dma_wait3A_115 = arith.constant 0 : i32
    %dma_wait3A_116 = arith.constant 0 : i32
    %dma_wait3A_117 = arith.constant 0 : i32
    %dma_wait3A_118 = arith.constant 0 : i32
    %dma_wait3A_119 = arith.constant 0 : i32
    %dma_wait3A_120 = arith.constant 0 : i32
    %dma_wait3A_121 = tpu.memref_slice %arg8[%dma_wait3A_117, %dma_wait3A_119, %dma_wait3A_120] : memref<2x56x128xf32, #tpu.memory_space<vmem>> -> memref<1x56x128xf32, #tpu.memory_space<vmem>>
    %dma_wait3A_122 = tpu.memref_squeeze %dma_wait3A_121 : memref<1x56x128xf32, #tpu.memory_space<vmem>> -> memref<56x128xf32, #tpu.memory_space<vmem>>
    %dma_wait3A_123 = arith.constant 0 : i32
    %dma_wait3A_124 = tpu.memref_slice %arg6[%dma_wait3A_115, %dma_wait3A_116, %dma_wait3A_123] : memref<2x1x56xi32, #tpu.memory_space<vmem>> -> memref<1x1x56xi32, #tpu.memory_space<vmem>>
    %dma_wait3A_125 = tpu.memref_squeeze %dma_wait3A_124 : memref<1x1x56xi32, #tpu.memory_space<vmem>> -> memref<56xi32, #tpu.memory_space<vmem>>
    %dma_wait3A_126 = arith.constant 0 : i32
    %dma_wait3A_127 = arith.constant 0 : i32
    %dma_wait3A_128 = tpu.memref_slice %arg4[%dma_wait3A_126, %dma_wait3A_127] : memref<1000x128xf32, #tpu.memory_space<hbm>> -> memref<1000x128xf32, #tpu.memory_space<hbm>>
    %dma_wait3A_129 = tpu.memref_slice %arg11[%dma_wait3A_118] : memref<2x!tpu.dma_semaphore, #tpu.memory_space<semaphore_mem>> -> memref<1x!tpu.dma_semaphore, #tpu.memory_space<semaphore_mem>>
    %dma_wait3A_130 = tpu.memref_squeeze %dma_wait3A_129 : memref<1x!tpu.dma_semaphore, #tpu.memory_space<semaphore_mem>> -> memref<!tpu.dma_semaphore, #tpu.memory_space<semaphore_mem>>
    tpu.wait_indirect_dma semaphore(%dma_wait3A_130 : memref<!tpu.dma_semaphore, #tpu.memory_space<semaphore_mem>>) src(%dma_wait3A_128 : memref<1000x128xf32, #tpu.memory_space<hbm>>) dst(%dma_wait3A_122 : memref<56x128xf32, #tpu.memory_space<vmem>>)
    %multiple_of3A = arith.constant 48 : i32
    %multiple_of3A_131 = tpu.assume_multiple %multiple_of3A, 8 : i32
    %multiple_of3A_132 = arith.constant 896 : i32
    %multiple_of3A_133 = tpu.assume_multiple %multiple_of3A_132, 128 : i32
    %add3A_134 = arith.constant 0 : i32
    %add3A_135 = arith.addi %mul3A_2, %add3A_134 : i32
    %dma_start3A_136 = arith.constant 0 : i32
    %dma_start3A_137 = arith.constant 0 : i32
    %dma_start3A_138 = arith.constant 0 : i32
    %dma_start3A_139 = arith.constant 0 : i32
    %dma_start3A_140 = tpu.memref_slice %arg7[%dma_start3A_136, %dma_start3A_138, %dma_start3A_139] : memref<2x56x896xf32, #tpu.memory_space<vmem>> -> memref<1x48x896xf32, #tpu.memory_space<vmem>>
    %dma_start3A_141 = tpu.memref_squeeze %dma_start3A_140 : memref<1x48x896xf32, #tpu.memory_space<vmem>> -> memref<48x896xf32, #tpu.memory_space<vmem>>
    %dma_start3A_142 = arith.constant 0 : i32
    %dma_start3A_143 = arith.constant 0 : i32
    %dma_start3A_144 = tpu.memref_slice %arg5[%add3A_135, %dma_start3A_142, %dma_start3A_143] : memref<1024x50x1000xf32, #tpu.memory_space<hbm>> -> memref<1x48x896xf32, #tpu.memory_space<hbm>>
    %dma_start3A_145 = tpu.memref_squeeze %dma_start3A_144 : memref<1x48x896xf32, #tpu.memory_space<hbm>> -> memref<48x896xf32, #tpu.memory_space<hbm>>
    %dma_start3A_146 = tpu.memref_slice %arg12[%dma_start3A_137] : memref<2x!tpu.dma_semaphore, #tpu.memory_space<semaphore_mem>> -> memref<1x!tpu.dma_semaphore, #tpu.memory_space<semaphore_mem>>
    %dma_start3A_147 = tpu.memref_squeeze %dma_start3A_146 : memref<1x!tpu.dma_semaphore, #tpu.memory_space<semaphore_mem>> -> memref<!tpu.dma_semaphore, #tpu.memory_space<semaphore_mem>>
    %dma_start3A_148 = arith.constant 0 : i32
    %dma_start3A_149 = arith.constant 0 : i32
    %dma_start3A_150 = tpu.memref_slice %arg5[%add3A_135, %dma_start3A_148, %dma_start3A_149] : memref<1024x50x1000xf32, #tpu.memory_space<hbm>> -> memref<1x48x896xf32, #tpu.memory_space<hbm>>
    %dma_start3A_151 = tpu.memref_squeeze %dma_start3A_150 : memref<1x48x896xf32, #tpu.memory_space<hbm>> -> memref<48x896xf32, #tpu.memory_space<hbm>>
    %dma_start3A_152 = arith.constant 0 : i32
    %dma_start3A_153 = arith.constant 0 : i32
    %dma_start3A_154 = tpu.memref_slice %arg7[%dma_start3A_136, %dma_start3A_152, %dma_start3A_153] : memref<2x56x896xf32, #tpu.memory_space<vmem>> -> memref<1x48x896xf32, #tpu.memory_space<vmem>>
    %dma_start3A_155 = tpu.memref_squeeze %dma_start3A_154 : memref<1x48x896xf32, #tpu.memory_space<vmem>> -> memref<48x896xf32, #tpu.memory_space<vmem>>
    tpu.enqueue_dma source(%dma_start3A_155 : memref<48x896xf32, #tpu.memory_space<vmem>>) target(%dma_start3A_151 : memref<48x896xf32, #tpu.memory_space<hbm>>) target_semaphore(%dma_start3A_147 : memref<!tpu.dma_semaphore, #tpu.memory_space<semaphore_mem>>)
    %dma_start3A_156 = arith.constant 0 : i32
    %dma_start3A_157 = arith.constant 0 : i32
    %dma_start3A_158 = arith.constant 48 : i32
    %dma_start3A_159 = arith.constant 0 : i32
    %dma_start3A_160 = tpu.memref_slice %arg7[%dma_start3A_156, %dma_start3A_158, %dma_start3A_159] : memref<2x56x896xf32, #tpu.memory_space<vmem>> -> memref<1x8x896xf32, #tpu.memory_space<vmem>>
    %dma_start3A_161 = tpu.memref_squeeze %dma_start3A_160 : memref<1x8x896xf32, #tpu.memory_space<vmem>> -> memref<8x896xf32, #tpu.memory_space<vmem>>
    %dma_start3A_162 = arith.constant 0 : i32
    %dma_start3A_163 = tpu.memref_slice %arg5[%add3A_135, %multiple_of3A_131, %dma_start3A_162] : memref<1024x50x1000xf32, #tpu.memory_space<hbm>> -> memref<1x8x896xf32, #tpu.memory_space<hbm>>
    %dma_start3A_164 = tpu.memref_squeeze %dma_start3A_163 : memref<1x8x896xf32, #tpu.memory_space<hbm>> -> memref<8x896xf32, #tpu.memory_space<hbm>>
    %dma_start3A_165 = tpu.memref_slice %arg12[%dma_start3A_157] : memref<2x!tpu.dma_semaphore, #tpu.memory_space<semaphore_mem>> -> memref<1x!tpu.dma_semaphore, #tpu.memory_space<semaphore_mem>>
    %dma_start3A_166 = tpu.memref_squeeze %dma_start3A_165 : memref<1x!tpu.dma_semaphore, #tpu.memory_space<semaphore_mem>> -> memref<!tpu.dma_semaphore, #tpu.memory_space<semaphore_mem>>
    %dma_start3A_167 = arith.constant 0 : i32
    %dma_start3A_168 = tpu.memref_slice %arg5[%add3A_135, %multiple_of3A_131, %dma_start3A_167] : memref<1024x50x1000xf32, #tpu.memory_space<hbm>> -> memref<1x8x896xf32, #tpu.memory_space<hbm>>
    %dma_start3A_169 = tpu.memref_squeeze %dma_start3A_168 : memref<1x8x896xf32, #tpu.memory_space<hbm>> -> memref<8x896xf32, #tpu.memory_space<hbm>>
    %dma_start3A_170 = arith.constant 48 : i32
    %dma_start3A_171 = arith.constant 0 : i32
    %dma_start3A_172 = tpu.memref_slice %arg7[%dma_start3A_156, %dma_start3A_170, %dma_start3A_171] : memref<2x56x896xf32, #tpu.memory_space<vmem>> -> memref<1x8x896xf32, #tpu.memory_space<vmem>>
    %dma_start3A_173 = tpu.memref_squeeze %dma_start3A_172 : memref<1x8x896xf32, #tpu.memory_space<vmem>> -> memref<8x896xf32, #tpu.memory_space<vmem>>
    tpu.enqueue_dma source(%dma_start3A_173 : memref<8x896xf32, #tpu.memory_space<vmem>>) target(%dma_start3A_169 : memref<8x896xf32, #tpu.memory_space<hbm>>) target_semaphore(%dma_start3A_166 : memref<!tpu.dma_semaphore, #tpu.memory_space<semaphore_mem>>)
    %dma_start3A_174 = arith.constant 0 : i32
    %dma_start3A_175 = arith.constant 0 : i32
    %dma_start3A_176 = arith.constant 0 : i32
    %dma_start3A_177 = arith.constant 0 : i32
    %dma_start3A_178 = tpu.memref_slice %arg8[%dma_start3A_174, %dma_start3A_176, %dma_start3A_177] : memref<2x56x128xf32, #tpu.memory_space<vmem>> -> memref<1x48x128xf32, #tpu.memory_space<vmem>>
    %dma_start3A_179 = tpu.memref_squeeze %dma_start3A_178 : memref<1x48x128xf32, #tpu.memory_space<vmem>> -> memref<48x128xf32, #tpu.memory_space<vmem>>
    %dma_start3A_180 = arith.constant 0 : i32
    %dma_start3A_181 = tpu.memref_slice %arg5[%add3A_135, %dma_start3A_180, %multiple_of3A_133] : memref<1024x50x1000xf32, #tpu.memory_space<hbm>> -> memref<1x48x128xf32, #tpu.memory_space<hbm>>
    %dma_start3A_182 = tpu.memref_squeeze %dma_start3A_181 : memref<1x48x128xf32, #tpu.memory_space<hbm>> -> memref<48x128xf32, #tpu.memory_space<hbm>>
    %dma_start3A_183 = tpu.memref_slice %arg12[%dma_start3A_175] : memref<2x!tpu.dma_semaphore, #tpu.memory_space<semaphore_mem>> -> memref<1x!tpu.dma_semaphore, #tpu.memory_space<semaphore_mem>>
    %dma_start3A_184 = tpu.memref_squeeze %dma_start3A_183 : memref<1x!tpu.dma_semaphore, #tpu.memory_space<semaphore_mem>> -> memref<!tpu.dma_semaphore, #tpu.memory_space<semaphore_mem>>
    %dma_start3A_185 = arith.constant 0 : i32
    %dma_start3A_186 = tpu.memref_slice %arg5[%add3A_135, %dma_start3A_185, %multiple_of3A_133] : memref<1024x50x1000xf32, #tpu.memory_space<hbm>> -> memref<1x48x128xf32, #tpu.memory_space<hbm>>
    %dma_start3A_187 = tpu.memref_squeeze %dma_start3A_186 : memref<1x48x128xf32, #tpu.memory_space<hbm>> -> memref<48x128xf32, #tpu.memory_space<hbm>>
    %dma_start3A_188 = arith.constant 0 : i32
    %dma_start3A_189 = arith.constant 0 : i32
    %dma_start3A_190 = tpu.memref_slice %arg8[%dma_start3A_174, %dma_start3A_188, %dma_start3A_189] : memref<2x56x128xf32, #tpu.memory_space<vmem>> -> memref<1x48x128xf32, #tpu.memory_space<vmem>>
    %dma_start3A_191 = tpu.memref_squeeze %dma_start3A_190 : memref<1x48x128xf32, #tpu.memory_space<vmem>> -> memref<48x128xf32, #tpu.memory_space<vmem>>
    tpu.enqueue_dma source(%dma_start3A_191 : memref<48x128xf32, #tpu.memory_space<vmem>>) target(%dma_start3A_187 : memref<48x128xf32, #tpu.memory_space<hbm>>) target_semaphore(%dma_start3A_184 : memref<!tpu.dma_semaphore, #tpu.memory_space<semaphore_mem>>)
    %dma_start3A_192 = arith.constant 0 : i32
    %dma_start3A_193 = arith.constant 0 : i32
    %dma_start3A_194 = arith.constant 48 : i32
    %dma_start3A_195 = arith.constant 0 : i32
    %dma_start3A_196 = tpu.memref_slice %arg8[%dma_start3A_192, %dma_start3A_194, %dma_start3A_195] : memref<2x56x128xf32, #tpu.memory_space<vmem>> -> memref<1x8x128xf32, #tpu.memory_space<vmem>>
    %dma_start3A_197 = tpu.memref_squeeze %dma_start3A_196 : memref<1x8x128xf32, #tpu.memory_space<vmem>> -> memref<8x128xf32, #tpu.memory_space<vmem>>
    %dma_start3A_198 = tpu.memref_slice %arg5[%add3A_135, %multiple_of3A_131, %multiple_of3A_133] : memref<1024x50x1000xf32, #tpu.memory_space<hbm>> -> memref<1x8x128xf32, #tpu.memory_space<hbm>>
    %dma_start3A_199 = tpu.memref_squeeze %dma_start3A_198 : memref<1x8x128xf32, #tpu.memory_space<hbm>> -> memref<8x128xf32, #tpu.memory_space<hbm>>
    %dma_start3A_200 = tpu.memref_slice %arg12[%dma_start3A_193] : memref<2x!tpu.dma_semaphore, #tpu.memory_space<semaphore_mem>> -> memref<1x!tpu.dma_semaphore, #tpu.memory_space<semaphore_mem>>
    %dma_start3A_201 = tpu.memref_squeeze %dma_start3A_200 : memref<1x!tpu.dma_semaphore, #tpu.memory_space<semaphore_mem>> -> memref<!tpu.dma_semaphore, #tpu.memory_space<semaphore_mem>>
    %dma_start3A_202 = tpu.memref_slice %arg5[%add3A_135, %multiple_of3A_131, %multiple_of3A_133] : memref<1024x50x1000xf32, #tpu.memory_space<hbm>> -> memref<1x8x128xf32, #tpu.memory_space<hbm>>
    %dma_start3A_203 = tpu.memref_squeeze %dma_start3A_202 : memref<1x8x128xf32, #tpu.memory_space<hbm>> -> memref<8x128xf32, #tpu.memory_space<hbm>>
    %dma_start3A_204 = arith.constant 48 : i32
    %dma_start3A_205 = arith.constant 0 : i32
    %dma_start3A_206 = tpu.memref_slice %arg8[%dma_start3A_192, %dma_start3A_204, %dma_start3A_205] : memref<2x56x128xf32, #tpu.memory_space<vmem>> -> memref<1x8x128xf32, #tpu.memory_space<vmem>>
    %dma_start3A_207 = tpu.memref_squeeze %dma_start3A_206 : memref<1x8x128xf32, #tpu.memory_space<vmem>> -> memref<8x128xf32, #tpu.memory_space<vmem>>
    tpu.enqueue_dma source(%dma_start3A_207 : memref<8x128xf32, #tpu.memory_space<vmem>>) target(%dma_start3A_203 : memref<8x128xf32, #tpu.memory_space<hbm>>) target_semaphore(%dma_start3A_201 : memref<!tpu.dma_semaphore, #tpu.memory_space<semaphore_mem>>)
    %add3A_208 = arith.constant 2 : i32
    %add3A_209 = arith.addi %mul3A_2, %add3A_208 : i32
    %dma_start3A_210 = arith.constant 0 : i32
    %dma_start3A_211 = arith.constant 0 : i32
    %dma_start3A_212 = arith.constant 0 : i32
    %dma_start3A_213 = arith.constant 0 : i32
    %dma_start3A_214 = tpu.memref_slice %arg6[%dma_start3A_210, %dma_start3A_212, %dma_start3A_213] : memref<2x1x56xi32, #tpu.memory_space<vmem>> -> memref<1x1x56xi32, #tpu.memory_space<vmem>>
    %dma_start3A_215 = tpu.memref_squeeze %dma_start3A_214 : memref<1x1x56xi32, #tpu.memory_space<vmem>> -> memref<1x56xi32, #tpu.memory_space<vmem>>
    %dma_start3A_216 = arith.constant 0 : i32
    %dma_start3A_217 = arith.constant 0 : i32
    %dma_start3A_218 = tpu.memref_slice %arg2[%add3A_209, %dma_start3A_216, %dma_start3A_217] : memref<1024x1x56xi32, #tpu.memory_space<hbm>> -> memref<1x1x56xi32, #tpu.memory_space<hbm>>
    %dma_start3A_219 = tpu.memref_squeeze %dma_start3A_218 : memref<1x1x56xi32, #tpu.memory_space<hbm>> -> memref<1x56xi32, #tpu.memory_space<hbm>>
    %dma_start3A_220 = tpu.memref_slice %arg9[%dma_start3A_211] : memref<2x!tpu.dma_semaphore, #tpu.memory_space<semaphore_mem>> -> memref<1x!tpu.dma_semaphore, #tpu.memory_space<semaphore_mem>>
    %dma_start3A_221 = tpu.memref_squeeze %dma_start3A_220 : memref<1x!tpu.dma_semaphore, #tpu.memory_space<semaphore_mem>> -> memref<!tpu.dma_semaphore, #tpu.memory_space<semaphore_mem>>
    %dma_start3A_222 = arith.constant 0 : i32
    %dma_start3A_223 = arith.constant 0 : i32
    %dma_start3A_224 = tpu.memref_slice %arg6[%dma_start3A_210, %dma_start3A_222, %dma_start3A_223] : memref<2x1x56xi32, #tpu.memory_space<vmem>> -> memref<1x1x56xi32, #tpu.memory_space<vmem>>
    %dma_start3A_225 = tpu.memref_squeeze %dma_start3A_224 : memref<1x1x56xi32, #tpu.memory_space<vmem>> -> memref<1x56xi32, #tpu.memory_space<vmem>>
    %dma_start3A_226 = arith.constant 0 : i32
    %dma_start3A_227 = arith.constant 0 : i32
    %dma_start3A_228 = tpu.memref_slice %arg2[%add3A_209, %dma_start3A_226, %dma_start3A_227] : memref<1024x1x56xi32, #tpu.memory_space<hbm>> -> memref<1x1x56xi32, #tpu.memory_space<hbm>>
    %dma_start3A_229 = tpu.memref_squeeze %dma_start3A_228 : memref<1x1x56xi32, #tpu.memory_space<hbm>> -> memref<1x56xi32, #tpu.memory_space<hbm>>
    tpu.enqueue_dma source(%dma_start3A_229 : memref<1x56xi32, #tpu.memory_space<hbm>>) target(%dma_start3A_225 : memref<1x56xi32, #tpu.memory_space<vmem>>) target_semaphore(%dma_start3A_221 : memref<!tpu.dma_semaphore, #tpu.memory_space<semaphore_mem>>)
    %add3A_230 = arith.constant 1 : i32
    %add3A_231 = arith.addi %mul3A_2, %add3A_230 : i32
    %dma_wait3A_232 = arith.constant 1 : i32
    %dma_wait3A_233 = arith.constant 1 : i32
    %dma_wait3A_234 = arith.constant 0 : i32
    %dma_wait3A_235 = arith.constant 0 : i32
    %dma_wait3A_236 = tpu.memref_slice %arg6[%dma_wait3A_232, %dma_wait3A_234, %dma_wait3A_235] : memref<2x1x56xi32, #tpu.memory_space<vmem>> -> memref<1x1x56xi32, #tpu.memory_space<vmem>>
    %dma_wait3A_237 = tpu.memref_squeeze %dma_wait3A_236 : memref<1x1x56xi32, #tpu.memory_space<vmem>> -> memref<1x56xi32, #tpu.memory_space<vmem>>
    %dma_wait3A_238 = arith.constant 0 : i32
    %dma_wait3A_239 = arith.constant 0 : i32
    %dma_wait3A_240 = tpu.memref_slice %arg2[%add3A_231, %dma_wait3A_238, %dma_wait3A_239] : memref<1024x1x56xi32, #tpu.memory_space<hbm>> -> memref<1x1x56xi32, #tpu.memory_space<hbm>>
    %dma_wait3A_241 = tpu.memref_squeeze %dma_wait3A_240 : memref<1x1x56xi32, #tpu.memory_space<hbm>> -> memref<1x56xi32, #tpu.memory_space<hbm>>
    %dma_wait3A_242 = tpu.memref_slice %arg9[%dma_wait3A_233] : memref<2x!tpu.dma_semaphore, #tpu.memory_space<semaphore_mem>> -> memref<1x!tpu.dma_semaphore, #tpu.memory_space<semaphore_mem>>
    %dma_wait3A_243 = tpu.memref_squeeze %dma_wait3A_242 : memref<1x!tpu.dma_semaphore, #tpu.memory_space<semaphore_mem>> -> memref<!tpu.dma_semaphore, #tpu.memory_space<semaphore_mem>>
    %dma_wait3A_244 = arith.constant 0 : i32
    %dma_wait3A_245 = arith.constant 0 : i32
    %dma_wait3A_246 = tpu.memref_slice %arg6[%dma_wait3A_232, %dma_wait3A_244, %dma_wait3A_245] : memref<2x1x56xi32, #tpu.memory_space<vmem>> -> memref<1x1x56xi32, #tpu.memory_space<vmem>>
    %dma_wait3A_247 = tpu.memref_squeeze %dma_wait3A_246 : memref<1x1x56xi32, #tpu.memory_space<vmem>> -> memref<1x56xi32, #tpu.memory_space<vmem>>
    %dma_wait3A_248 = arith.constant 0 : i32
    %dma_wait3A_249 = arith.constant 0 : i32
    %dma_wait3A_250 = tpu.memref_slice %arg2[%add3A_231, %dma_wait3A_248, %dma_wait3A_249] : memref<1024x1x56xi32, #tpu.memory_space<hbm>> -> memref<1x1x56xi32, #tpu.memory_space<hbm>>
    %dma_wait3A_251 = tpu.memref_squeeze %dma_wait3A_250 : memref<1x1x56xi32, #tpu.memory_space<hbm>> -> memref<1x56xi32, #tpu.memory_space<hbm>>
    tpu.wait_dma2 semaphore(%dma_wait3A_243 : memref<!tpu.dma_semaphore, #tpu.memory_space<semaphore_mem>>) src(%dma_wait3A_251 : memref<1x56xi32, #tpu.memory_space<hbm>>) dst(%dma_wait3A_247 : memref<1x56xi32, #tpu.memory_space<vmem>>)
    %dma_start3A_252 = arith.constant 1 : i32
    %dma_start3A_253 = arith.constant 0 : i32
    %dma_start3A_254 = arith.constant 1 : i32
    %dma_start3A_255 = arith.constant 1 : i32
    %dma_start3A_256 = arith.constant 0 : i32
    %dma_start3A_257 = arith.constant 0 : i32
    %dma_start3A_258 = tpu.memref_slice %arg7[%dma_start3A_254, %dma_start3A_256, %dma_start3A_257] : memref<2x56x896xf32, #tpu.memory_space<vmem>> -> memref<1x56x896xf32, #tpu.memory_space<vmem>>
    %dma_start3A_259 = tpu.memref_squeeze %dma_start3A_258 : memref<1x56x896xf32, #tpu.memory_space<vmem>> -> memref<56x896xf32, #tpu.memory_space<vmem>>
    %dma_start3A_260 = arith.constant 0 : i32
    %dma_start3A_261 = tpu.memref_slice %arg6[%dma_start3A_252, %dma_start3A_253, %dma_start3A_260] : memref<2x1x56xi32, #tpu.memory_space<vmem>> -> memref<1x1x56xi32, #tpu.memory_space<vmem>>
    %dma_start3A_262 = tpu.memref_squeeze %dma_start3A_261 : memref<1x1x56xi32, #tpu.memory_space<vmem>> -> memref<56xi32, #tpu.memory_space<vmem>>
    %dma_start3A_263 = arith.constant 0 : i32
    %dma_start3A_264 = arith.constant 0 : i32
    %dma_start3A_265 = tpu.memref_slice %arg3[%dma_start3A_263, %dma_start3A_264] : memref<1000x896xf32, #tpu.memory_space<hbm>> -> memref<1000x896xf32, #tpu.memory_space<hbm>>
    %dma_start3A_266 = tpu.memref_slice %arg10[%dma_start3A_255] : memref<2x!tpu.dma_semaphore, #tpu.memory_space<semaphore_mem>> -> memref<1x!tpu.dma_semaphore, #tpu.memory_space<semaphore_mem>>
    %dma_start3A_267 = tpu.memref_squeeze %dma_start3A_266 : memref<1x!tpu.dma_semaphore, #tpu.memory_space<semaphore_mem>> -> memref<!tpu.dma_semaphore, #tpu.memory_space<semaphore_mem>>
    tpu.enqueue_indirect_dma source(%dma_start3A_265 : memref<1000x896xf32, #tpu.memory_space<hbm>>) target(%dma_start3A_259 : memref<56x896xf32, #tpu.memory_space<vmem>>) offsets(%dma_start3A_262 : memref<56xi32, #tpu.memory_space<vmem>>) semaphore(%dma_start3A_267 : memref<!tpu.dma_semaphore, #tpu.memory_space<semaphore_mem>>)
    %dma_start3A_268 = arith.constant 1 : i32
    %dma_start3A_269 = arith.constant 0 : i32
    %dma_start3A_270 = arith.constant 1 : i32
    %dma_start3A_271 = arith.constant 1 : i32
    %dma_start3A_272 = arith.constant 0 : i32
    %dma_start3A_273 = arith.constant 0 : i32
    %dma_start3A_274 = tpu.memref_slice %arg8[%dma_start3A_270, %dma_start3A_272, %dma_start3A_273] : memref<2x56x128xf32, #tpu.memory_space<vmem>> -> memref<1x56x128xf32, #tpu.memory_space<vmem>>
    %dma_start3A_275 = tpu.memref_squeeze %dma_start3A_274 : memref<1x56x128xf32, #tpu.memory_space<vmem>> -> memref<56x128xf32, #tpu.memory_space<vmem>>
    %dma_start3A_276 = arith.constant 0 : i32
    %dma_start3A_277 = tpu.memref_slice %arg6[%dma_start3A_268, %dma_start3A_269, %dma_start3A_276] : memref<2x1x56xi32, #tpu.memory_space<vmem>> -> memref<1x1x56xi32, #tpu.memory_space<vmem>>
    %dma_start3A_278 = tpu.memref_squeeze %dma_start3A_277 : memref<1x1x56xi32, #tpu.memory_space<vmem>> -> memref<56xi32, #tpu.memory_space<vmem>>
    %dma_start3A_279 = arith.constant 0 : i32
    %dma_start3A_280 = arith.constant 0 : i32
    %dma_start3A_281 = tpu.memref_slice %arg4[%dma_start3A_279, %dma_start3A_280] : memref<1000x128xf32, #tpu.memory_space<hbm>> -> memref<1000x128xf32, #tpu.memory_space<hbm>>
    %dma_start3A_282 = tpu.memref_slice %arg11[%dma_start3A_271] : memref<2x!tpu.dma_semaphore, #tpu.memory_space<semaphore_mem>> -> memref<1x!tpu.dma_semaphore, #tpu.memory_space<semaphore_mem>>
    %dma_start3A_283 = tpu.memref_squeeze %dma_start3A_282 : memref<1x!tpu.dma_semaphore, #tpu.memory_space<semaphore_mem>> -> memref<!tpu.dma_semaphore, #tpu.memory_space<semaphore_mem>>
    tpu.enqueue_indirect_dma source(%dma_start3A_281 : memref<1000x128xf32, #tpu.memory_space<hbm>>) target(%dma_start3A_275 : memref<56x128xf32, #tpu.memory_space<vmem>>) offsets(%dma_start3A_278 : memref<56xi32, #tpu.memory_space<vmem>>) semaphore(%dma_start3A_283 : memref<!tpu.dma_semaphore, #tpu.memory_space<semaphore_mem>>)
    %scan3A = arith.constant 0 : i32
    %scan3A_284 = arith.constant 1 : i32
    %scan3A_285 = arith.constant 29 : i32
    %scan3A_286 = arith.addi %scan3A_284, %scan3A_285 : i32
    %scan3A_287 = arith.constant 1 : i32
    scf.for %scan3A_797 = %scan3A_284 to %scan3A_286 step %scan3A_287  : i32 {
      %rem3A = arith.constant 2 : i32
      %rem3A_798 = arith.remsi %scan3A_797, %rem3A : i32
      %add3A_799 = arith.constant 1 : i32
      %add3A_800 = arith.addi %scan3A_797, %add3A_799 : i32
      %rem3A_801 = arith.constant 2 : i32
      %rem3A_802 = arith.remsi %add3A_800, %rem3A_801 : i32
      %dma_wait3A_803 = arith.constant 0 : i32
      %dma_wait3A_804 = arith.constant 0 : i32
      %dma_wait3A_805 = arith.constant 0 : i32
      %dma_wait3A_806 = tpu.memref_slice %arg7[%rem3A_798, %dma_wait3A_804, %dma_wait3A_805] : memref<2x56x896xf32, #tpu.memory_space<vmem>> -> memref<1x56x896xf32, #tpu.memory_space<vmem>>
      %dma_wait3A_807 = tpu.memref_squeeze %dma_wait3A_806 : memref<1x56x896xf32, #tpu.memory_space<vmem>> -> memref<56x896xf32, #tpu.memory_space<vmem>>
      %dma_wait3A_808 = arith.constant 0 : i32
      %dma_wait3A_809 = tpu.memref_slice %arg6[%rem3A_798, %dma_wait3A_803, %dma_wait3A_808] : memref<2x1x56xi32, #tpu.memory_space<vmem>> -> memref<1x1x56xi32, #tpu.memory_space<vmem>>
      %dma_wait3A_810 = tpu.memref_squeeze %dma_wait3A_809 : memref<1x1x56xi32, #tpu.memory_space<vmem>> -> memref<56xi32, #tpu.memory_space<vmem>>
      %dma_wait3A_811 = arith.constant 0 : i32
      %dma_wait3A_812 = arith.constant 0 : i32
      %dma_wait3A_813 = tpu.memref_slice %arg3[%dma_wait3A_811, %dma_wait3A_812] : memref<1000x896xf32, #tpu.memory_space<hbm>> -> memref<1000x896xf32, #tpu.memory_space<hbm>>
      %dma_wait3A_814 = tpu.memref_slice %arg10[%rem3A_798] : memref<2x!tpu.dma_semaphore, #tpu.memory_space<semaphore_mem>> -> memref<1x!tpu.dma_semaphore, #tpu.memory_space<semaphore_mem>>
      %dma_wait3A_815 = tpu.memref_squeeze %dma_wait3A_814 : memref<1x!tpu.dma_semaphore, #tpu.memory_space<semaphore_mem>> -> memref<!tpu.dma_semaphore, #tpu.memory_space<semaphore_mem>>
      tpu.wait_indirect_dma semaphore(%dma_wait3A_815 : memref<!tpu.dma_semaphore, #tpu.memory_space<semaphore_mem>>) src(%dma_wait3A_813 : memref<1000x896xf32, #tpu.memory_space<hbm>>) dst(%dma_wait3A_807 : memref<56x896xf32, #tpu.memory_space<vmem>>)
      %dma_wait3A_816 = arith.constant 0 : i32
      %dma_wait3A_817 = arith.constant 0 : i32
      %dma_wait3A_818 = arith.constant 0 : i32
      %dma_wait3A_819 = tpu.memref_slice %arg8[%rem3A_798, %dma_wait3A_817, %dma_wait3A_818] : memref<2x56x128xf32, #tpu.memory_space<vmem>> -> memref<1x56x128xf32, #tpu.memory_space<vmem>>
      %dma_wait3A_820 = tpu.memref_squeeze %dma_wait3A_819 : memref<1x56x128xf32, #tpu.memory_space<vmem>> -> memref<56x128xf32, #tpu.memory_space<vmem>>
      %dma_wait3A_821 = arith.constant 0 : i32
      %dma_wait3A_822 = tpu.memref_slice %arg6[%rem3A_798, %dma_wait3A_816, %dma_wait3A_821] : memref<2x1x56xi32, #tpu.memory_space<vmem>> -> memref<1x1x56xi32, #tpu.memory_space<vmem>>
      %dma_wait3A_823 = tpu.memref_squeeze %dma_wait3A_822 : memref<1x1x56xi32, #tpu.memory_space<vmem>> -> memref<56xi32, #tpu.memory_space<vmem>>
      %dma_wait3A_824 = arith.constant 0 : i32
      %dma_wait3A_825 = arith.constant 0 : i32
      %dma_wait3A_826 = tpu.memref_slice %arg4[%dma_wait3A_824, %dma_wait3A_825] : memref<1000x128xf32, #tpu.memory_space<hbm>> -> memref<1000x128xf32, #tpu.memory_space<hbm>>
      %dma_wait3A_827 = tpu.memref_slice %arg11[%rem3A_798] : memref<2x!tpu.dma_semaphore, #tpu.memory_space<semaphore_mem>> -> memref<1x!tpu.dma_semaphore, #tpu.memory_space<semaphore_mem>>
      %dma_wait3A_828 = tpu.memref_squeeze %dma_wait3A_827 : memref<1x!tpu.dma_semaphore, #tpu.memory_space<semaphore_mem>> -> memref<!tpu.dma_semaphore, #tpu.memory_space<semaphore_mem>>
      tpu.wait_indirect_dma semaphore(%dma_wait3A_828 : memref<!tpu.dma_semaphore, #tpu.memory_space<semaphore_mem>>) src(%dma_wait3A_826 : memref<1000x128xf32, #tpu.memory_space<hbm>>) dst(%dma_wait3A_820 : memref<56x128xf32, #tpu.memory_space<vmem>>)
      %mul3A_829 = arith.constant 0 : i32
      %mul3A_830 = arith.muli %mul3A_829, %scan3A_797 : i32
      %add3A_831 = arith.constant 48 : i32
      %add3A_832 = arith.addi %add3A_831, %mul3A_830 : i32
      %multiple_of3A_833 = tpu.assume_multiple %add3A_832, 8 : i32
      %mul3A_834 = arith.constant 0 : i32
      %mul3A_835 = arith.muli %mul3A_834, %scan3A_797 : i32
      %add3A_836 = arith.constant 896 : i32
      %add3A_837 = arith.addi %add3A_836, %mul3A_835 : i32
      %multiple_of3A_838 = tpu.assume_multiple %add3A_837, 128 : i32
      %add3A_839 = arith.addi %mul3A_2, %scan3A_797 : i32
      %dma_start3A_840 = arith.constant 0 : i32
      %dma_start3A_841 = arith.constant 0 : i32
      %dma_start3A_842 = tpu.memref_slice %arg7[%rem3A_798, %dma_start3A_840, %dma_start3A_841] : memref<2x56x896xf32, #tpu.memory_space<vmem>> -> memref<1x48x896xf32, #tpu.memory_space<vmem>>
      %dma_start3A_843 = tpu.memref_squeeze %dma_start3A_842 : memref<1x48x896xf32, #tpu.memory_space<vmem>> -> memref<48x896xf32, #tpu.memory_space<vmem>>
      %dma_start3A_844 = arith.constant 0 : i32
      %dma_start3A_845 = arith.constant 0 : i32
      %dma_start3A_846 = tpu.memref_slice %arg5[%add3A_839, %dma_start3A_844, %dma_start3A_845] : memref<1024x50x1000xf32, #tpu.memory_space<hbm>> -> memref<1x48x896xf32, #tpu.memory_space<hbm>>
      %dma_start3A_847 = tpu.memref_squeeze %dma_start3A_846 : memref<1x48x896xf32, #tpu.memory_space<hbm>> -> memref<48x896xf32, #tpu.memory_space<hbm>>
      %dma_start3A_848 = tpu.memref_slice %arg12[%rem3A_798] : memref<2x!tpu.dma_semaphore, #tpu.memory_space<semaphore_mem>> -> memref<1x!tpu.dma_semaphore, #tpu.memory_space<semaphore_mem>>
      %dma_start3A_849 = tpu.memref_squeeze %dma_start3A_848 : memref<1x!tpu.dma_semaphore, #tpu.memory_space<semaphore_mem>> -> memref<!tpu.dma_semaphore, #tpu.memory_space<semaphore_mem>>
      %dma_start3A_850 = arith.constant 0 : i32
      %dma_start3A_851 = arith.constant 0 : i32
      %dma_start3A_852 = tpu.memref_slice %arg5[%add3A_839, %dma_start3A_850, %dma_start3A_851] : memref<1024x50x1000xf32, #tpu.memory_space<hbm>> -> memref<1x48x896xf32, #tpu.memory_space<hbm>>
      %dma_start3A_853 = tpu.memref_squeeze %dma_start3A_852 : memref<1x48x896xf32, #tpu.memory_space<hbm>> -> memref<48x896xf32, #tpu.memory_space<hbm>>
      %dma_start3A_854 = arith.constant 0 : i32
      %dma_start3A_855 = arith.constant 0 : i32
      %dma_start3A_856 = tpu.memref_slice %arg7[%rem3A_798, %dma_start3A_854, %dma_start3A_855] : memref<2x56x896xf32, #tpu.memory_space<vmem>> -> memref<1x48x896xf32, #tpu.memory_space<vmem>>
      %dma_start3A_857 = tpu.memref_squeeze %dma_start3A_856 : memref<1x48x896xf32, #tpu.memory_space<vmem>> -> memref<48x896xf32, #tpu.memory_space<vmem>>
      tpu.enqueue_dma source(%dma_start3A_857 : memref<48x896xf32, #tpu.memory_space<vmem>>) target(%dma_start3A_853 : memref<48x896xf32, #tpu.memory_space<hbm>>) target_semaphore(%dma_start3A_849 : memref<!tpu.dma_semaphore, #tpu.memory_space<semaphore_mem>>)
      %dma_start3A_858 = arith.constant 48 : i32
      %dma_start3A_859 = arith.constant 0 : i32
      %dma_start3A_860 = tpu.memref_slice %arg7[%rem3A_798, %dma_start3A_858, %dma_start3A_859] : memref<2x56x896xf32, #tpu.memory_space<vmem>> -> memref<1x8x896xf32, #tpu.memory_space<vmem>>
      %dma_start3A_861 = tpu.memref_squeeze %dma_start3A_860 : memref<1x8x896xf32, #tpu.memory_space<vmem>> -> memref<8x896xf32, #tpu.memory_space<vmem>>
      %dma_start3A_862 = arith.constant 0 : i32
      %dma_start3A_863 = tpu.memref_slice %arg5[%add3A_839, %multiple_of3A_833, %dma_start3A_862] : memref<1024x50x1000xf32, #tpu.memory_space<hbm>> -> memref<1x8x896xf32, #tpu.memory_space<hbm>>
      %dma_start3A_864 = tpu.memref_squeeze %dma_start3A_863 : memref<1x8x896xf32, #tpu.memory_space<hbm>> -> memref<8x896xf32, #tpu.memory_space<hbm>>
      %dma_start3A_865 = tpu.memref_slice %arg12[%rem3A_798] : memref<2x!tpu.dma_semaphore, #tpu.memory_space<semaphore_mem>> -> memref<1x!tpu.dma_semaphore, #tpu.memory_space<semaphore_mem>>
      %dma_start3A_866 = tpu.memref_squeeze %dma_start3A_865 : memref<1x!tpu.dma_semaphore, #tpu.memory_space<semaphore_mem>> -> memref<!tpu.dma_semaphore, #tpu.memory_space<semaphore_mem>>
      %dma_start3A_867 = arith.constant 0 : i32
      %dma_start3A_868 = tpu.memref_slice %arg5[%add3A_839, %multiple_of3A_833, %dma_start3A_867] : memref<1024x50x1000xf32, #tpu.memory_space<hbm>> -> memref<1x8x896xf32, #tpu.memory_space<hbm>>
      %dma_start3A_869 = tpu.memref_squeeze %dma_start3A_868 : memref<1x8x896xf32, #tpu.memory_space<hbm>> -> memref<8x896xf32, #tpu.memory_space<hbm>>
      %dma_start3A_870 = arith.constant 48 : i32
      %dma_start3A_871 = arith.constant 0 : i32
      %dma_start3A_872 = tpu.memref_slice %arg7[%rem3A_798, %dma_start3A_870, %dma_start3A_871] : memref<2x56x896xf32, #tpu.memory_space<vmem>> -> memref<1x8x896xf32, #tpu.memory_space<vmem>>
      %dma_start3A_873 = tpu.memref_squeeze %dma_start3A_872 : memref<1x8x896xf32, #tpu.memory_space<vmem>> -> memref<8x896xf32, #tpu.memory_space<vmem>>
      tpu.enqueue_dma source(%dma_start3A_873 : memref<8x896xf32, #tpu.memory_space<vmem>>) target(%dma_start3A_869 : memref<8x896xf32, #tpu.memory_space<hbm>>) target_semaphore(%dma_start3A_866 : memref<!tpu.dma_semaphore, #tpu.memory_space<semaphore_mem>>)
      %dma_start3A_874 = arith.constant 0 : i32
      %dma_start3A_875 = arith.constant 0 : i32
      %dma_start3A_876 = tpu.memref_slice %arg8[%rem3A_798, %dma_start3A_874, %dma_start3A_875] : memref<2x56x128xf32, #tpu.memory_space<vmem>> -> memref<1x48x128xf32, #tpu.memory_space<vmem>>
      %dma_start3A_877 = tpu.memref_squeeze %dma_start3A_876 : memref<1x48x128xf32, #tpu.memory_space<vmem>> -> memref<48x128xf32, #tpu.memory_space<vmem>>
      %dma_start3A_878 = arith.constant 0 : i32
      %dma_start3A_879 = tpu.memref_slice %arg5[%add3A_839, %dma_start3A_878, %multiple_of3A_838] : memref<1024x50x1000xf32, #tpu.memory_space<hbm>> -> memref<1x48x128xf32, #tpu.memory_space<hbm>>
      %dma_start3A_880 = tpu.memref_squeeze %dma_start3A_879 : memref<1x48x128xf32, #tpu.memory_space<hbm>> -> memref<48x128xf32, #tpu.memory_space<hbm>>
      %dma_start3A_881 = tpu.memref_slice %arg12[%rem3A_798] : memref<2x!tpu.dma_semaphore, #tpu.memory_space<semaphore_mem>> -> memref<1x!tpu.dma_semaphore, #tpu.memory_space<semaphore_mem>>
      %dma_start3A_882 = tpu.memref_squeeze %dma_start3A_881 : memref<1x!tpu.dma_semaphore, #tpu.memory_space<semaphore_mem>> -> memref<!tpu.dma_semaphore, #tpu.memory_space<semaphore_mem>>
      %dma_start3A_883 = arith.constant 0 : i32
      %dma_start3A_884 = tpu.memref_slice %arg5[%add3A_839, %dma_start3A_883, %multiple_of3A_838] : memref<1024x50x1000xf32, #tpu.memory_space<hbm>> -> memref<1x48x128xf32, #tpu.memory_space<hbm>>
      %dma_start3A_885 = tpu.memref_squeeze %dma_start3A_884 : memref<1x48x128xf32, #tpu.memory_space<hbm>> -> memref<48x128xf32, #tpu.memory_space<hbm>>
      %dma_start3A_886 = arith.constant 0 : i32
      %dma_start3A_887 = arith.constant 0 : i32
      %dma_start3A_888 = tpu.memref_slice %arg8[%rem3A_798, %dma_start3A_886, %dma_start3A_887] : memref<2x56x128xf32, #tpu.memory_space<vmem>> -> memref<1x48x128xf32, #tpu.memory_space<vmem>>
      %dma_start3A_889 = tpu.memref_squeeze %dma_start3A_888 : memref<1x48x128xf32, #tpu.memory_space<vmem>> -> memref<48x128xf32, #tpu.memory_space<vmem>>
      tpu.enqueue_dma source(%dma_start3A_889 : memref<48x128xf32, #tpu.memory_space<vmem>>) target(%dma_start3A_885 : memref<48x128xf32, #tpu.memory_space<hbm>>) target_semaphore(%dma_start3A_882 : memref<!tpu.dma_semaphore, #tpu.memory_space<semaphore_mem>>)
      %dma_start3A_890 = arith.constant 48 : i32
      %dma_start3A_891 = arith.constant 0 : i32
      %dma_start3A_892 = tpu.memref_slice %arg8[%rem3A_798, %dma_start3A_890, %dma_start3A_891] : memref<2x56x128xf32, #tpu.memory_space<vmem>> -> memref<1x8x128xf32, #tpu.memory_space<vmem>>
      %dma_start3A_893 = tpu.memref_squeeze %dma_start3A_892 : memref<1x8x128xf32, #tpu.memory_space<vmem>> -> memref<8x128xf32, #tpu.memory_space<vmem>>
      %dma_start3A_894 = tpu.memref_slice %arg5[%add3A_839, %multiple_of3A_833, %multiple_of3A_838] : memref<1024x50x1000xf32, #tpu.memory_space<hbm>> -> memref<1x8x128xf32, #tpu.memory_space<hbm>>
      %dma_start3A_895 = tpu.memref_squeeze %dma_start3A_894 : memref<1x8x128xf32, #tpu.memory_space<hbm>> -> memref<8x128xf32, #tpu.memory_space<hbm>>
      %dma_start3A_896 = tpu.memref_slice %arg12[%rem3A_798] : memref<2x!tpu.dma_semaphore, #tpu.memory_space<semaphore_mem>> -> memref<1x!tpu.dma_semaphore, #tpu.memory_space<semaphore_mem>>
      %dma_start3A_897 = tpu.memref_squeeze %dma_start3A_896 : memref<1x!tpu.dma_semaphore, #tpu.memory_space<semaphore_mem>> -> memref<!tpu.dma_semaphore, #tpu.memory_space<semaphore_mem>>
      %dma_start3A_898 = tpu.memref_slice %arg5[%add3A_839, %multiple_of3A_833, %multiple_of3A_838] : memref<1024x50x1000xf32, #tpu.memory_space<hbm>> -> memref<1x8x128xf32, #tpu.memory_space<hbm>>
      %dma_start3A_899 = tpu.memref_squeeze %dma_start3A_898 : memref<1x8x128xf32, #tpu.memory_space<hbm>> -> memref<8x128xf32, #tpu.memory_space<hbm>>
      %dma_start3A_900 = arith.constant 48 : i32
      %dma_start3A_901 = arith.constant 0 : i32
      %dma_start3A_902 = tpu.memref_slice %arg8[%rem3A_798, %dma_start3A_900, %dma_start3A_901] : memref<2x56x128xf32, #tpu.memory_space<vmem>> -> memref<1x8x128xf32, #tpu.memory_space<vmem>>
      %dma_start3A_903 = tpu.memref_squeeze %dma_start3A_902 : memref<1x8x128xf32, #tpu.memory_space<vmem>> -> memref<8x128xf32, #tpu.memory_space<vmem>>
      tpu.enqueue_dma source(%dma_start3A_903 : memref<8x128xf32, #tpu.memory_space<vmem>>) target(%dma_start3A_899 : memref<8x128xf32, #tpu.memory_space<hbm>>) target_semaphore(%dma_start3A_897 : memref<!tpu.dma_semaphore, #tpu.memory_space<semaphore_mem>>)
      %add3A_904 = arith.constant 2 : i32
      %add3A_905 = arith.addi %scan3A_797, %add3A_904 : i32
      %add3A_906 = arith.addi %mul3A_2, %add3A_905 : i32
      %dma_start3A_907 = arith.constant 0 : i32
      %dma_start3A_908 = arith.constant 0 : i32
      %dma_start3A_909 = tpu.memref_slice %arg6[%rem3A_798, %dma_start3A_907, %dma_start3A_908] : memref<2x1x56xi32, #tpu.memory_space<vmem>> -> memref<1x1x56xi32, #tpu.memory_space<vmem>>
      %dma_start3A_910 = tpu.memref_squeeze %dma_start3A_909 : memref<1x1x56xi32, #tpu.memory_space<vmem>> -> memref<1x56xi32, #tpu.memory_space<vmem>>
      %dma_start3A_911 = arith.constant 0 : i32
      %dma_start3A_912 = arith.constant 0 : i32
      %dma_start3A_913 = tpu.memref_slice %arg2[%add3A_906, %dma_start3A_911, %dma_start3A_912] : memref<1024x1x56xi32, #tpu.memory_space<hbm>> -> memref<1x1x56xi32, #tpu.memory_space<hbm>>
      %dma_start3A_914 = tpu.memref_squeeze %dma_start3A_913 : memref<1x1x56xi32, #tpu.memory_space<hbm>> -> memref<1x56xi32, #tpu.memory_space<hbm>>
      %dma_start3A_915 = tpu.memref_slice %arg9[%rem3A_798] : memref<2x!tpu.dma_semaphore, #tpu.memory_space<semaphore_mem>> -> memref<1x!tpu.dma_semaphore, #tpu.memory_space<semaphore_mem>>
      %dma_start3A_916 = tpu.memref_squeeze %dma_start3A_915 : memref<1x!tpu.dma_semaphore, #tpu.memory_space<semaphore_mem>> -> memref<!tpu.dma_semaphore, #tpu.memory_space<semaphore_mem>>
      %dma_start3A_917 = arith.constant 0 : i32
      %dma_start3A_918 = arith.constant 0 : i32
      %dma_start3A_919 = tpu.memref_slice %arg6[%rem3A_798, %dma_start3A_917, %dma_start3A_918] : memref<2x1x56xi32, #tpu.memory_space<vmem>> -> memref<1x1x56xi32, #tpu.memory_space<vmem>>
      %dma_start3A_920 = tpu.memref_squeeze %dma_start3A_919 : memref<1x1x56xi32, #tpu.memory_space<vmem>> -> memref<1x56xi32, #tpu.memory_space<vmem>>
      %dma_start3A_921 = arith.constant 0 : i32
      %dma_start3A_922 = arith.constant 0 : i32
      %dma_start3A_923 = tpu.memref_slice %arg2[%add3A_906, %dma_start3A_921, %dma_start3A_922] : memref<1024x1x56xi32, #tpu.memory_space<hbm>> -> memref<1x1x56xi32, #tpu.memory_space<hbm>>
      %dma_start3A_924 = tpu.memref_squeeze %dma_start3A_923 : memref<1x1x56xi32, #tpu.memory_space<hbm>> -> memref<1x56xi32, #tpu.memory_space<hbm>>
      tpu.enqueue_dma source(%dma_start3A_924 : memref<1x56xi32, #tpu.memory_space<hbm>>) target(%dma_start3A_920 : memref<1x56xi32, #tpu.memory_space<vmem>>) target_semaphore(%dma_start3A_916 : memref<!tpu.dma_semaphore, #tpu.memory_space<semaphore_mem>>)
      %sub3A = arith.constant 1 : i32
      %sub3A_925 = arith.subi %scan3A_797, %sub3A : i32
      %mul3A_926 = arith.constant 0 : i32
      %mul3A_927 = arith.muli %mul3A_926, %sub3A_925 : i32
      %add3A_928 = arith.constant 48 : i32
      %add3A_929 = arith.addi %add3A_928, %mul3A_927 : i32
      %multiple_of3A_930 = tpu.assume_multiple %add3A_929, 8 : i32
      %mul3A_931 = arith.constant 0 : i32
      %mul3A_932 = arith.muli %mul3A_931, %sub3A_925 : i32
      %add3A_933 = arith.constant 896 : i32
      %add3A_934 = arith.addi %add3A_933, %mul3A_932 : i32
      %multiple_of3A_935 = tpu.assume_multiple %add3A_934, 128 : i32
      %add3A_936 = arith.addi %mul3A_2, %sub3A_925 : i32
      %dma_wait3A_937 = arith.constant 0 : i32
      %dma_wait3A_938 = arith.constant 0 : i32
      %dma_wait3A_939 = tpu.memref_slice %arg7[%rem3A_802, %dma_wait3A_937, %dma_wait3A_938] : memref<2x56x896xf32, #tpu.memory_space<vmem>> -> memref<1x48x896xf32, #tpu.memory_space<vmem>>
      %dma_wait3A_940 = tpu.memref_squeeze %dma_wait3A_939 : memref<1x48x896xf32, #tpu.memory_space<vmem>> -> memref<48x896xf32, #tpu.memory_space<vmem>>
      %dma_wait3A_941 = arith.constant 0 : i32
      %dma_wait3A_942 = arith.constant 0 : i32
      %dma_wait3A_943 = tpu.memref_slice %arg5[%add3A_936, %dma_wait3A_941, %dma_wait3A_942] : memref<1024x50x1000xf32, #tpu.memory_space<hbm>> -> memref<1x48x896xf32, #tpu.memory_space<hbm>>
      %dma_wait3A_944 = tpu.memref_squeeze %dma_wait3A_943 : memref<1x48x896xf32, #tpu.memory_space<hbm>> -> memref<48x896xf32, #tpu.memory_space<hbm>>
      %dma_wait3A_945 = tpu.memref_slice %arg12[%rem3A_802] : memref<2x!tpu.dma_semaphore, #tpu.memory_space<semaphore_mem>> -> memref<1x!tpu.dma_semaphore, #tpu.memory_space<semaphore_mem>>
      %dma_wait3A_946 = tpu.memref_squeeze %dma_wait3A_945 : memref<1x!tpu.dma_semaphore, #tpu.memory_space<semaphore_mem>> -> memref<!tpu.dma_semaphore, #tpu.memory_space<semaphore_mem>>
      %dma_wait3A_947 = arith.constant 0 : i32
      %dma_wait3A_948 = arith.constant 0 : i32
      %dma_wait3A_949 = tpu.memref_slice %arg5[%add3A_936, %dma_wait3A_947, %dma_wait3A_948] : memref<1024x50x1000xf32, #tpu.memory_space<hbm>> -> memref<1x48x896xf32, #tpu.memory_space<hbm>>
      %dma_wait3A_950 = tpu.memref_squeeze %dma_wait3A_949 : memref<1x48x896xf32, #tpu.memory_space<hbm>> -> memref<48x896xf32, #tpu.memory_space<hbm>>
      %dma_wait3A_951 = arith.constant 0 : i32
      %dma_wait3A_952 = arith.constant 0 : i32
      %dma_wait3A_953 = tpu.memref_slice %arg7[%rem3A_802, %dma_wait3A_951, %dma_wait3A_952] : memref<2x56x896xf32, #tpu.memory_space<vmem>> -> memref<1x48x896xf32, #tpu.memory_space<vmem>>
      %dma_wait3A_954 = tpu.memref_squeeze %dma_wait3A_953 : memref<1x48x896xf32, #tpu.memory_space<vmem>> -> memref<48x896xf32, #tpu.memory_space<vmem>>
      tpu.wait_dma2 semaphore(%dma_wait3A_946 : memref<!tpu.dma_semaphore, #tpu.memory_space<semaphore_mem>>) src(%dma_wait3A_954 : memref<48x896xf32, #tpu.memory_space<vmem>>) dst(%dma_wait3A_950 : memref<48x896xf32, #tpu.memory_space<hbm>>)
      %dma_wait3A_955 = arith.constant 48 : i32
      %dma_wait3A_956 = arith.constant 0 : i32
      %dma_wait3A_957 = tpu.memref_slice %arg7[%rem3A_802, %dma_wait3A_955, %dma_wait3A_956] : memref<2x56x896xf32, #tpu.memory_space<vmem>> -> memref<1x8x896xf32, #tpu.memory_space<vmem>>
      %dma_wait3A_958 = tpu.memref_squeeze %dma_wait3A_957 : memref<1x8x896xf32, #tpu.memory_space<vmem>> -> memref<8x896xf32, #tpu.memory_space<vmem>>
      %dma_wait3A_959 = arith.constant 0 : i32
      %dma_wait3A_960 = tpu.memref_slice %arg5[%add3A_936, %multiple_of3A_930, %dma_wait3A_959] : memref<1024x50x1000xf32, #tpu.memory_space<hbm>> -> memref<1x8x896xf32, #tpu.memory_space<hbm>>
      %dma_wait3A_961 = tpu.memref_squeeze %dma_wait3A_960 : memref<1x8x896xf32, #tpu.memory_space<hbm>> -> memref<8x896xf32, #tpu.memory_space<hbm>>
      %dma_wait3A_962 = tpu.memref_slice %arg12[%rem3A_802] : memref<2x!tpu.dma_semaphore, #tpu.memory_space<semaphore_mem>> -> memref<1x!tpu.dma_semaphore, #tpu.memory_space<semaphore_mem>>
      %dma_wait3A_963 = tpu.memref_squeeze %dma_wait3A_962 : memref<1x!tpu.dma_semaphore, #tpu.memory_space<semaphore_mem>> -> memref<!tpu.dma_semaphore, #tpu.memory_space<semaphore_mem>>
      %dma_wait3A_964 = arith.constant 0 : i32
      %dma_wait3A_965 = tpu.memref_slice %arg5[%add3A_936, %multiple_of3A_930, %dma_wait3A_964] : memref<1024x50x1000xf32, #tpu.memory_space<hbm>> -> memref<1x8x896xf32, #tpu.memory_space<hbm>>
      %dma_wait3A_966 = tpu.memref_squeeze %dma_wait3A_965 : memref<1x8x896xf32, #tpu.memory_space<hbm>> -> memref<8x896xf32, #tpu.memory_space<hbm>>
      %dma_wait3A_967 = arith.constant 48 : i32
      %dma_wait3A_968 = arith.constant 0 : i32
      %dma_wait3A_969 = tpu.memref_slice %arg7[%rem3A_802, %dma_wait3A_967, %dma_wait3A_968] : memref<2x56x896xf32, #tpu.memory_space<vmem>> -> memref<1x8x896xf32, #tpu.memory_space<vmem>>
      %dma_wait3A_970 = tpu.memref_squeeze %dma_wait3A_969 : memref<1x8x896xf32, #tpu.memory_space<vmem>> -> memref<8x896xf32, #tpu.memory_space<vmem>>
      tpu.wait_dma2 semaphore(%dma_wait3A_963 : memref<!tpu.dma_semaphore, #tpu.memory_space<semaphore_mem>>) src(%dma_wait3A_970 : memref<8x896xf32, #tpu.memory_space<vmem>>) dst(%dma_wait3A_966 : memref<8x896xf32, #tpu.memory_space<hbm>>)
      %dma_wait3A_971 = arith.constant 0 : i32
      %dma_wait3A_972 = arith.constant 0 : i32
      %dma_wait3A_973 = tpu.memref_slice %arg8[%rem3A_802, %dma_wait3A_971, %dma_wait3A_972] : memref<2x56x128xf32, #tpu.memory_space<vmem>> -> memref<1x48x128xf32, #tpu.memory_space<vmem>>
      %dma_wait3A_974 = tpu.memref_squeeze %dma_wait3A_973 : memref<1x48x128xf32, #tpu.memory_space<vmem>> -> memref<48x128xf32, #tpu.memory_space<vmem>>
      %dma_wait3A_975 = arith.constant 0 : i32
      %dma_wait3A_976 = tpu.memref_slice %arg5[%add3A_936, %dma_wait3A_975, %multiple_of3A_935] : memref<1024x50x1000xf32, #tpu.memory_space<hbm>> -> memref<1x48x128xf32, #tpu.memory_space<hbm>>
      %dma_wait3A_977 = tpu.memref_squeeze %dma_wait3A_976 : memref<1x48x128xf32, #tpu.memory_space<hbm>> -> memref<48x128xf32, #tpu.memory_space<hbm>>
      %dma_wait3A_978 = tpu.memref_slice %arg12[%rem3A_802] : memref<2x!tpu.dma_semaphore, #tpu.memory_space<semaphore_mem>> -> memref<1x!tpu.dma_semaphore, #tpu.memory_space<semaphore_mem>>
      %dma_wait3A_979 = tpu.memref_squeeze %dma_wait3A_978 : memref<1x!tpu.dma_semaphore, #tpu.memory_space<semaphore_mem>> -> memref<!tpu.dma_semaphore, #tpu.memory_space<semaphore_mem>>
      %dma_wait3A_980 = arith.constant 0 : i32
      %dma_wait3A_981 = tpu.memref_slice %arg5[%add3A_936, %dma_wait3A_980, %multiple_of3A_935] : memref<1024x50x1000xf32, #tpu.memory_space<hbm>> -> memref<1x48x128xf32, #tpu.memory_space<hbm>>
      %dma_wait3A_982 = tpu.memref_squeeze %dma_wait3A_981 : memref<1x48x128xf32, #tpu.memory_space<hbm>> -> memref<48x128xf32, #tpu.memory_space<hbm>>
      %dma_wait3A_983 = arith.constant 0 : i32
      %dma_wait3A_984 = arith.constant 0 : i32
      %dma_wait3A_985 = tpu.memref_slice %arg8[%rem3A_802, %dma_wait3A_983, %dma_wait3A_984] : memref<2x56x128xf32, #tpu.memory_space<vmem>> -> memref<1x48x128xf32, #tpu.memory_space<vmem>>
      %dma_wait3A_986 = tpu.memref_squeeze %dma_wait3A_985 : memref<1x48x128xf32, #tpu.memory_space<vmem>> -> memref<48x128xf32, #tpu.memory_space<vmem>>
      tpu.wait_dma2 semaphore(%dma_wait3A_979 : memref<!tpu.dma_semaphore, #tpu.memory_space<semaphore_mem>>) src(%dma_wait3A_986 : memref<48x128xf32, #tpu.memory_space<vmem>>) dst(%dma_wait3A_982 : memref<48x128xf32, #tpu.memory_space<hbm>>)
      %dma_wait3A_987 = arith.constant 48 : i32
      %dma_wait3A_988 = arith.constant 0 : i32
      %dma_wait3A_989 = tpu.memref_slice %arg8[%rem3A_802, %dma_wait3A_987, %dma_wait3A_988] : memref<2x56x128xf32, #tpu.memory_space<vmem>> -> memref<1x8x128xf32, #tpu.memory_space<vmem>>
      %dma_wait3A_990 = tpu.memref_squeeze %dma_wait3A_989 : memref<1x8x128xf32, #tpu.memory_space<vmem>> -> memref<8x128xf32, #tpu.memory_space<vmem>>
      %dma_wait3A_991 = tpu.memref_slice %arg5[%add3A_936, %multiple_of3A_930, %multiple_of3A_935] : memref<1024x50x1000xf32, #tpu.memory_space<hbm>> -> memref<1x8x128xf32, #tpu.memory_space<hbm>>
      %dma_wait3A_992 = tpu.memref_squeeze %dma_wait3A_991 : memref<1x8x128xf32, #tpu.memory_space<hbm>> -> memref<8x128xf32, #tpu.memory_space<hbm>>
      %dma_wait3A_993 = tpu.memref_slice %arg12[%rem3A_802] : memref<2x!tpu.dma_semaphore, #tpu.memory_space<semaphore_mem>> -> memref<1x!tpu.dma_semaphore, #tpu.memory_space<semaphore_mem>>
      %dma_wait3A_994 = tpu.memref_squeeze %dma_wait3A_993 : memref<1x!tpu.dma_semaphore, #tpu.memory_space<semaphore_mem>> -> memref<!tpu.dma_semaphore, #tpu.memory_space<semaphore_mem>>
      %dma_wait3A_995 = tpu.memref_slice %arg5[%add3A_936, %multiple_of3A_930, %multiple_of3A_935] : memref<1024x50x1000xf32, #tpu.memory_space<hbm>> -> memref<1x8x128xf32, #tpu.memory_space<hbm>>
      %dma_wait3A_996 = tpu.memref_squeeze %dma_wait3A_995 : memref<1x8x128xf32, #tpu.memory_space<hbm>> -> memref<8x128xf32, #tpu.memory_space<hbm>>
      %dma_wait3A_997 = arith.constant 48 : i32
      %dma_wait3A_998 = arith.constant 0 : i32
      %dma_wait3A_999 = tpu.memref_slice %arg8[%rem3A_802, %dma_wait3A_997, %dma_wait3A_998] : memref<2x56x128xf32, #tpu.memory_space<vmem>> -> memref<1x8x128xf32, #tpu.memory_space<vmem>>
      %dma_wait3A_1000 = tpu.memref_squeeze %dma_wait3A_999 : memref<1x8x128xf32, #tpu.memory_space<vmem>> -> memref<8x128xf32, #tpu.memory_space<vmem>>
      tpu.wait_dma2 semaphore(%dma_wait3A_994 : memref<!tpu.dma_semaphore, #tpu.memory_space<semaphore_mem>>) src(%dma_wait3A_1000 : memref<8x128xf32, #tpu.memory_space<vmem>>) dst(%dma_wait3A_996 : memref<8x128xf32, #tpu.memory_space<hbm>>)
      %add3A_1001 = arith.constant 1 : i32
      %add3A_1002 = arith.addi %scan3A_797, %add3A_1001 : i32
      %add3A_1003 = arith.addi %mul3A_2, %add3A_1002 : i32
      %dma_wait3A_1004 = arith.constant 0 : i32
      %dma_wait3A_1005 = arith.constant 0 : i32
      %dma_wait3A_1006 = tpu.memref_slice %arg6[%rem3A_802, %dma_wait3A_1004, %dma_wait3A_1005] : memref<2x1x56xi32, #tpu.memory_space<vmem>> -> memref<1x1x56xi32, #tpu.memory_space<vmem>>
      %dma_wait3A_1007 = tpu.memref_squeeze %dma_wait3A_1006 : memref<1x1x56xi32, #tpu.memory_space<vmem>> -> memref<1x56xi32, #tpu.memory_space<vmem>>
      %dma_wait3A_1008 = arith.constant 0 : i32
      %dma_wait3A_1009 = arith.constant 0 : i32
      %dma_wait3A_1010 = tpu.memref_slice %arg2[%add3A_1003, %dma_wait3A_1008, %dma_wait3A_1009] : memref<1024x1x56xi32, #tpu.memory_space<hbm>> -> memref<1x1x56xi32, #tpu.memory_space<hbm>>
      %dma_wait3A_1011 = tpu.memref_squeeze %dma_wait3A_1010 : memref<1x1x56xi32, #tpu.memory_space<hbm>> -> memref<1x56xi32, #tpu.memory_space<hbm>>
      %dma_wait3A_1012 = tpu.memref_slice %arg9[%rem3A_802] : memref<2x!tpu.dma_semaphore, #tpu.memory_space<semaphore_mem>> -> memref<1x!tpu.dma_semaphore, #tpu.memory_space<semaphore_mem>>
      %dma_wait3A_1013 = tpu.memref_squeeze %dma_wait3A_1012 : memref<1x!tpu.dma_semaphore, #tpu.memory_space<semaphore_mem>> -> memref<!tpu.dma_semaphore, #tpu.memory_space<semaphore_mem>>
      %dma_wait3A_1014 = arith.constant 0 : i32
      %dma_wait3A_1015 = arith.constant 0 : i32
      %dma_wait3A_1016 = tpu.memref_slice %arg6[%rem3A_802, %dma_wait3A_1014, %dma_wait3A_1015] : memref<2x1x56xi32, #tpu.memory_space<vmem>> -> memref<1x1x56xi32, #tpu.memory_space<vmem>>
      %dma_wait3A_1017 = tpu.memref_squeeze %dma_wait3A_1016 : memref<1x1x56xi32, #tpu.memory_space<vmem>> -> memref<1x56xi32, #tpu.memory_space<vmem>>
      %dma_wait3A_1018 = arith.constant 0 : i32
      %dma_wait3A_1019 = arith.constant 0 : i32
      %dma_wait3A_1020 = tpu.memref_slice %arg2[%add3A_1003, %dma_wait3A_1018, %dma_wait3A_1019] : memref<1024x1x56xi32, #tpu.memory_space<hbm>> -> memref<1x1x56xi32, #tpu.memory_space<hbm>>
      %dma_wait3A_1021 = tpu.memref_squeeze %dma_wait3A_1020 : memref<1x1x56xi32, #tpu.memory_space<hbm>> -> memref<1x56xi32, #tpu.memory_space<hbm>>
      tpu.wait_dma2 semaphore(%dma_wait3A_1013 : memref<!tpu.dma_semaphore, #tpu.memory_space<semaphore_mem>>) src(%dma_wait3A_1021 : memref<1x56xi32, #tpu.memory_space<hbm>>) dst(%dma_wait3A_1017 : memref<1x56xi32, #tpu.memory_space<vmem>>)
      %add3A_1022 = arith.constant 1 : i32
      %add3A_1023 = arith.addi %scan3A_797, %add3A_1022 : i32
      %dma_start3A_1024 = arith.constant 0 : i32
      %dma_start3A_1025 = arith.constant 0 : i32
      %dma_start3A_1026 = arith.constant 0 : i32
      %dma_start3A_1027 = tpu.memref_slice %arg7[%rem3A_802, %dma_start3A_1025, %dma_start3A_1026] : memref<2x56x896xf32, #tpu.memory_space<vmem>> -> memref<1x56x896xf32, #tpu.memory_space<vmem>>
      %dma_start3A_1028 = tpu.memref_squeeze %dma_start3A_1027 : memref<1x56x896xf32, #tpu.memory_space<vmem>> -> memref<56x896xf32, #tpu.memory_space<vmem>>
      %dma_start3A_1029 = arith.constant 0 : i32
      %dma_start3A_1030 = tpu.memref_slice %arg6[%rem3A_802, %dma_start3A_1024, %dma_start3A_1029] : memref<2x1x56xi32, #tpu.memory_space<vmem>> -> memref<1x1x56xi32, #tpu.memory_space<vmem>>
      %dma_start3A_1031 = tpu.memref_squeeze %dma_start3A_1030 : memref<1x1x56xi32, #tpu.memory_space<vmem>> -> memref<56xi32, #tpu.memory_space<vmem>>
      %dma_start3A_1032 = arith.constant 0 : i32
      %dma_start3A_1033 = arith.constant 0 : i32
      %dma_start3A_1034 = tpu.memref_slice %arg3[%dma_start3A_1032, %dma_start3A_1033] : memref<1000x896xf32, #tpu.memory_space<hbm>> -> memref<1000x896xf32, #tpu.memory_space<hbm>>
      %dma_start3A_1035 = tpu.memref_slice %arg10[%rem3A_802] : memref<2x!tpu.dma_semaphore, #tpu.memory_space<semaphore_mem>> -> memref<1x!tpu.dma_semaphore, #tpu.memory_space<semaphore_mem>>
      %dma_start3A_1036 = tpu.memref_squeeze %dma_start3A_1035 : memref<1x!tpu.dma_semaphore, #tpu.memory_space<semaphore_mem>> -> memref<!tpu.dma_semaphore, #tpu.memory_space<semaphore_mem>>
      tpu.enqueue_indirect_dma source(%dma_start3A_1034 : memref<1000x896xf32, #tpu.memory_space<hbm>>) target(%dma_start3A_1028 : memref<56x896xf32, #tpu.memory_space<vmem>>) offsets(%dma_start3A_1031 : memref<56xi32, #tpu.memory_space<vmem>>) semaphore(%dma_start3A_1036 : memref<!tpu.dma_semaphore, #tpu.memory_space<semaphore_mem>>)
      %dma_start3A_1037 = arith.constant 0 : i32
      %dma_start3A_1038 = arith.constant 0 : i32
      %dma_start3A_1039 = arith.constant 0 : i32
      %dma_start3A_1040 = tpu.memref_slice %arg8[%rem3A_802, %dma_start3A_1038, %dma_start3A_1039] : memref<2x56x128xf32, #tpu.memory_space<vmem>> -> memref<1x56x128xf32, #tpu.memory_space<vmem>>
      %dma_start3A_1041 = tpu.memref_squeeze %dma_start3A_1040 : memref<1x56x128xf32, #tpu.memory_space<vmem>> -> memref<56x128xf32, #tpu.memory_space<vmem>>
      %dma_start3A_1042 = arith.constant 0 : i32
      %dma_start3A_1043 = tpu.memref_slice %arg6[%rem3A_802, %dma_start3A_1037, %dma_start3A_1042] : memref<2x1x56xi32, #tpu.memory_space<vmem>> -> memref<1x1x56xi32, #tpu.memory_space<vmem>>
      %dma_start3A_1044 = tpu.memref_squeeze %dma_start3A_1043 : memref<1x1x56xi32, #tpu.memory_space<vmem>> -> memref<56xi32, #tpu.memory_space<vmem>>
      %dma_start3A_1045 = arith.constant 0 : i32
      %dma_start3A_1046 = arith.constant 0 : i32
      %dma_start3A_1047 = tpu.memref_slice %arg4[%dma_start3A_1045, %dma_start3A_1046] : memref<1000x128xf32, #tpu.memory_space<hbm>> -> memref<1000x128xf32, #tpu.memory_space<hbm>>
      %dma_start3A_1048 = tpu.memref_slice %arg11[%rem3A_802] : memref<2x!tpu.dma_semaphore, #tpu.memory_space<semaphore_mem>> -> memref<1x!tpu.dma_semaphore, #tpu.memory_space<semaphore_mem>>
      %dma_start3A_1049 = tpu.memref_squeeze %dma_start3A_1048 : memref<1x!tpu.dma_semaphore, #tpu.memory_space<semaphore_mem>> -> memref<!tpu.dma_semaphore, #tpu.memory_space<semaphore_mem>>
      tpu.enqueue_indirect_dma source(%dma_start3A_1047 : memref<1000x128xf32, #tpu.memory_space<hbm>>) target(%dma_start3A_1041 : memref<56x128xf32, #tpu.memory_space<vmem>>) offsets(%dma_start3A_1044 : memref<56xi32, #tpu.memory_space<vmem>>) semaphore(%dma_start3A_1049 : memref<!tpu.dma_semaphore, #tpu.memory_space<semaphore_mem>>)
    }
    %scan3A_288 = arith.constant 29 : i32
    %dma_wait3A_289 = arith.constant 0 : i32
    %dma_wait3A_290 = arith.constant 0 : i32
    %dma_wait3A_291 = arith.constant 0 : i32
    %dma_wait3A_292 = arith.constant 0 : i32
    %dma_wait3A_293 = arith.constant 0 : i32
    %dma_wait3A_294 = arith.constant 0 : i32
    %dma_wait3A_295 = tpu.memref_slice %arg7[%dma_wait3A_291, %dma_wait3A_293, %dma_wait3A_294] : memref<2x56x896xf32, #tpu.memory_space<vmem>> -> memref<1x56x896xf32, #tpu.memory_space<vmem>>
    %dma_wait3A_296 = tpu.memref_squeeze %dma_wait3A_295 : memref<1x56x896xf32, #tpu.memory_space<vmem>> -> memref<56x896xf32, #tpu.memory_space<vmem>>
    %dma_wait3A_297 = arith.constant 0 : i32
    %dma_wait3A_298 = tpu.memref_slice %arg6[%dma_wait3A_289, %dma_wait3A_290, %dma_wait3A_297] : memref<2x1x56xi32, #tpu.memory_space<vmem>> -> memref<1x1x56xi32, #tpu.memory_space<vmem>>
    %dma_wait3A_299 = tpu.memref_squeeze %dma_wait3A_298 : memref<1x1x56xi32, #tpu.memory_space<vmem>> -> memref<56xi32, #tpu.memory_space<vmem>>
    %dma_wait3A_300 = arith.constant 0 : i32
    %dma_wait3A_301 = arith.constant 0 : i32
    %dma_wait3A_302 = tpu.memref_slice %arg3[%dma_wait3A_300, %dma_wait3A_301] : memref<1000x896xf32, #tpu.memory_space<hbm>> -> memref<1000x896xf32, #tpu.memory_space<hbm>>
    %dma_wait3A_303 = tpu.memref_slice %arg10[%dma_wait3A_292] : memref<2x!tpu.dma_semaphore, #tpu.memory_space<semaphore_mem>> -> memref<1x!tpu.dma_semaphore, #tpu.memory_space<semaphore_mem>>
    %dma_wait3A_304 = tpu.memref_squeeze %dma_wait3A_303 : memref<1x!tpu.dma_semaphore, #tpu.memory_space<semaphore_mem>> -> memref<!tpu.dma_semaphore, #tpu.memory_space<semaphore_mem>>
    tpu.wait_indirect_dma semaphore(%dma_wait3A_304 : memref<!tpu.dma_semaphore, #tpu.memory_space<semaphore_mem>>) src(%dma_wait3A_302 : memref<1000x896xf32, #tpu.memory_space<hbm>>) dst(%dma_wait3A_296 : memref<56x896xf32, #tpu.memory_space<vmem>>)
    %dma_wait3A_305 = arith.constant 0 : i32
    %dma_wait3A_306 = arith.constant 0 : i32
    %dma_wait3A_307 = arith.constant 0 : i32
    %dma_wait3A_308 = arith.constant 0 : i32
    %dma_wait3A_309 = arith.constant 0 : i32
    %dma_wait3A_310 = arith.constant 0 : i32
    %dma_wait3A_311 = tpu.memref_slice %arg8[%dma_wait3A_307, %dma_wait3A_309, %dma_wait3A_310] : memref<2x56x128xf32, #tpu.memory_space<vmem>> -> memref<1x56x128xf32, #tpu.memory_space<vmem>>
    %dma_wait3A_312 = tpu.memref_squeeze %dma_wait3A_311 : memref<1x56x128xf32, #tpu.memory_space<vmem>> -> memref<56x128xf32, #tpu.memory_space<vmem>>
    %dma_wait3A_313 = arith.constant 0 : i32
    %dma_wait3A_314 = tpu.memref_slice %arg6[%dma_wait3A_305, %dma_wait3A_306, %dma_wait3A_313] : memref<2x1x56xi32, #tpu.memory_space<vmem>> -> memref<1x1x56xi32, #tpu.memory_space<vmem>>
    %dma_wait3A_315 = tpu.memref_squeeze %dma_wait3A_314 : memref<1x1x56xi32, #tpu.memory_space<vmem>> -> memref<56xi32, #tpu.memory_space<vmem>>
    %dma_wait3A_316 = arith.constant 0 : i32
    %dma_wait3A_317 = arith.constant 0 : i32
    %dma_wait3A_318 = tpu.memref_slice %arg4[%dma_wait3A_316, %dma_wait3A_317] : memref<1000x128xf32, #tpu.memory_space<hbm>> -> memref<1000x128xf32, #tpu.memory_space<hbm>>
    %dma_wait3A_319 = tpu.memref_slice %arg11[%dma_wait3A_308] : memref<2x!tpu.dma_semaphore, #tpu.memory_space<semaphore_mem>> -> memref<1x!tpu.dma_semaphore, #tpu.memory_space<semaphore_mem>>
    %dma_wait3A_320 = tpu.memref_squeeze %dma_wait3A_319 : memref<1x!tpu.dma_semaphore, #tpu.memory_space<semaphore_mem>> -> memref<!tpu.dma_semaphore, #tpu.memory_space<semaphore_mem>>
    tpu.wait_indirect_dma semaphore(%dma_wait3A_320 : memref<!tpu.dma_semaphore, #tpu.memory_space<semaphore_mem>>) src(%dma_wait3A_318 : memref<1000x128xf32, #tpu.memory_space<hbm>>) dst(%dma_wait3A_312 : memref<56x128xf32, #tpu.memory_space<vmem>>)
    %multiple_of3A_321 = arith.constant 48 : i32
    %multiple_of3A_322 = tpu.assume_multiple %multiple_of3A_321, 8 : i32
    %multiple_of3A_323 = arith.constant 896 : i32
    %multiple_of3A_324 = tpu.assume_multiple %multiple_of3A_323, 128 : i32
    %add3A_325 = arith.constant 30 : i32
    %add3A_326 = arith.addi %mul3A_2, %add3A_325 : i32
    %dma_start3A_327 = arith.constant 0 : i32
    %dma_start3A_328 = arith.constant 0 : i32
    %dma_start3A_329 = arith.constant 0 : i32
    %dma_start3A_330 = arith.constant 0 : i32
    %dma_start3A_331 = tpu.memref_slice %arg7[%dma_start3A_327, %dma_start3A_329, %dma_start3A_330] : memref<2x56x896xf32, #tpu.memory_space<vmem>> -> memref<1x48x896xf32, #tpu.memory_space<vmem>>
    %dma_start3A_332 = tpu.memref_squeeze %dma_start3A_331 : memref<1x48x896xf32, #tpu.memory_space<vmem>> -> memref<48x896xf32, #tpu.memory_space<vmem>>
    %dma_start3A_333 = arith.constant 0 : i32
    %dma_start3A_334 = arith.constant 0 : i32
    %dma_start3A_335 = tpu.memref_slice %arg5[%add3A_326, %dma_start3A_333, %dma_start3A_334] : memref<1024x50x1000xf32, #tpu.memory_space<hbm>> -> memref<1x48x896xf32, #tpu.memory_space<hbm>>
    %dma_start3A_336 = tpu.memref_squeeze %dma_start3A_335 : memref<1x48x896xf32, #tpu.memory_space<hbm>> -> memref<48x896xf32, #tpu.memory_space<hbm>>
    %dma_start3A_337 = tpu.memref_slice %arg12[%dma_start3A_328] : memref<2x!tpu.dma_semaphore, #tpu.memory_space<semaphore_mem>> -> memref<1x!tpu.dma_semaphore, #tpu.memory_space<semaphore_mem>>
    %dma_start3A_338 = tpu.memref_squeeze %dma_start3A_337 : memref<1x!tpu.dma_semaphore, #tpu.memory_space<semaphore_mem>> -> memref<!tpu.dma_semaphore, #tpu.memory_space<semaphore_mem>>
    %dma_start3A_339 = arith.constant 0 : i32
    %dma_start3A_340 = arith.constant 0 : i32
    %dma_start3A_341 = tpu.memref_slice %arg5[%add3A_326, %dma_start3A_339, %dma_start3A_340] : memref<1024x50x1000xf32, #tpu.memory_space<hbm>> -> memref<1x48x896xf32, #tpu.memory_space<hbm>>
    %dma_start3A_342 = tpu.memref_squeeze %dma_start3A_341 : memref<1x48x896xf32, #tpu.memory_space<hbm>> -> memref<48x896xf32, #tpu.memory_space<hbm>>
    %dma_start3A_343 = arith.constant 0 : i32
    %dma_start3A_344 = arith.constant 0 : i32
    %dma_start3A_345 = tpu.memref_slice %arg7[%dma_start3A_327, %dma_start3A_343, %dma_start3A_344] : memref<2x56x896xf32, #tpu.memory_space<vmem>> -> memref<1x48x896xf32, #tpu.memory_space<vmem>>
    %dma_start3A_346 = tpu.memref_squeeze %dma_start3A_345 : memref<1x48x896xf32, #tpu.memory_space<vmem>> -> memref<48x896xf32, #tpu.memory_space<vmem>>
    tpu.enqueue_dma source(%dma_start3A_346 : memref<48x896xf32, #tpu.memory_space<vmem>>) target(%dma_start3A_342 : memref<48x896xf32, #tpu.memory_space<hbm>>) target_semaphore(%dma_start3A_338 : memref<!tpu.dma_semaphore, #tpu.memory_space<semaphore_mem>>)
    %dma_start3A_347 = arith.constant 0 : i32
    %dma_start3A_348 = arith.constant 0 : i32
    %dma_start3A_349 = arith.constant 48 : i32
    %dma_start3A_350 = arith.constant 0 : i32
    %dma_start3A_351 = tpu.memref_slice %arg7[%dma_start3A_347, %dma_start3A_349, %dma_start3A_350] : memref<2x56x896xf32, #tpu.memory_space<vmem>> -> memref<1x8x896xf32, #tpu.memory_space<vmem>>
    %dma_start3A_352 = tpu.memref_squeeze %dma_start3A_351 : memref<1x8x896xf32, #tpu.memory_space<vmem>> -> memref<8x896xf32, #tpu.memory_space<vmem>>
    %dma_start3A_353 = arith.constant 0 : i32
    %dma_start3A_354 = tpu.memref_slice %arg5[%add3A_326, %multiple_of3A_322, %dma_start3A_353] : memref<1024x50x1000xf32, #tpu.memory_space<hbm>> -> memref<1x8x896xf32, #tpu.memory_space<hbm>>
    %dma_start3A_355 = tpu.memref_squeeze %dma_start3A_354 : memref<1x8x896xf32, #tpu.memory_space<hbm>> -> memref<8x896xf32, #tpu.memory_space<hbm>>
    %dma_start3A_356 = tpu.memref_slice %arg12[%dma_start3A_348] : memref<2x!tpu.dma_semaphore, #tpu.memory_space<semaphore_mem>> -> memref<1x!tpu.dma_semaphore, #tpu.memory_space<semaphore_mem>>
    %dma_start3A_357 = tpu.memref_squeeze %dma_start3A_356 : memref<1x!tpu.dma_semaphore, #tpu.memory_space<semaphore_mem>> -> memref<!tpu.dma_semaphore, #tpu.memory_space<semaphore_mem>>
    %dma_start3A_358 = arith.constant 0 : i32
    %dma_start3A_359 = tpu.memref_slice %arg5[%add3A_326, %multiple_of3A_322, %dma_start3A_358] : memref<1024x50x1000xf32, #tpu.memory_space<hbm>> -> memref<1x8x896xf32, #tpu.memory_space<hbm>>
    %dma_start3A_360 = tpu.memref_squeeze %dma_start3A_359 : memref<1x8x896xf32, #tpu.memory_space<hbm>> -> memref<8x896xf32, #tpu.memory_space<hbm>>
    %dma_start3A_361 = arith.constant 48 : i32
    %dma_start3A_362 = arith.constant 0 : i32
    %dma_start3A_363 = tpu.memref_slice %arg7[%dma_start3A_347, %dma_start3A_361, %dma_start3A_362] : memref<2x56x896xf32, #tpu.memory_space<vmem>> -> memref<1x8x896xf32, #tpu.memory_space<vmem>>
    %dma_start3A_364 = tpu.memref_squeeze %dma_start3A_363 : memref<1x8x896xf32, #tpu.memory_space<vmem>> -> memref<8x896xf32, #tpu.memory_space<vmem>>
    tpu.enqueue_dma source(%dma_start3A_364 : memref<8x896xf32, #tpu.memory_space<vmem>>) target(%dma_start3A_360 : memref<8x896xf32, #tpu.memory_space<hbm>>) target_semaphore(%dma_start3A_357 : memref<!tpu.dma_semaphore, #tpu.memory_space<semaphore_mem>>)
    %dma_start3A_365 = arith.constant 0 : i32
    %dma_start3A_366 = arith.constant 0 : i32
    %dma_start3A_367 = arith.constant 0 : i32
    %dma_start3A_368 = arith.constant 0 : i32
    %dma_start3A_369 = tpu.memref_slice %arg8[%dma_start3A_365, %dma_start3A_367, %dma_start3A_368] : memref<2x56x128xf32, #tpu.memory_space<vmem>> -> memref<1x48x128xf32, #tpu.memory_space<vmem>>
    %dma_start3A_370 = tpu.memref_squeeze %dma_start3A_369 : memref<1x48x128xf32, #tpu.memory_space<vmem>> -> memref<48x128xf32, #tpu.memory_space<vmem>>
    %dma_start3A_371 = arith.constant 0 : i32
    %dma_start3A_372 = tpu.memref_slice %arg5[%add3A_326, %dma_start3A_371, %multiple_of3A_324] : memref<1024x50x1000xf32, #tpu.memory_space<hbm>> -> memref<1x48x128xf32, #tpu.memory_space<hbm>>
    %dma_start3A_373 = tpu.memref_squeeze %dma_start3A_372 : memref<1x48x128xf32, #tpu.memory_space<hbm>> -> memref<48x128xf32, #tpu.memory_space<hbm>>
    %dma_start3A_374 = tpu.memref_slice %arg12[%dma_start3A_366] : memref<2x!tpu.dma_semaphore, #tpu.memory_space<semaphore_mem>> -> memref<1x!tpu.dma_semaphore, #tpu.memory_space<semaphore_mem>>
    %dma_start3A_375 = tpu.memref_squeeze %dma_start3A_374 : memref<1x!tpu.dma_semaphore, #tpu.memory_space<semaphore_mem>> -> memref<!tpu.dma_semaphore, #tpu.memory_space<semaphore_mem>>
    %dma_start3A_376 = arith.constant 0 : i32
    %dma_start3A_377 = tpu.memref_slice %arg5[%add3A_326, %dma_start3A_376, %multiple_of3A_324] : memref<1024x50x1000xf32, #tpu.memory_space<hbm>> -> memref<1x48x128xf32, #tpu.memory_space<hbm>>
    %dma_start3A_378 = tpu.memref_squeeze %dma_start3A_377 : memref<1x48x128xf32, #tpu.memory_space<hbm>> -> memref<48x128xf32, #tpu.memory_space<hbm>>
    %dma_start3A_379 = arith.constant 0 : i32
    %dma_start3A_380 = arith.constant 0 : i32
    %dma_start3A_381 = tpu.memref_slice %arg8[%dma_start3A_365, %dma_start3A_379, %dma_start3A_380] : memref<2x56x128xf32, #tpu.memory_space<vmem>> -> memref<1x48x128xf32, #tpu.memory_space<vmem>>
    %dma_start3A_382 = tpu.memref_squeeze %dma_start3A_381 : memref<1x48x128xf32, #tpu.memory_space<vmem>> -> memref<48x128xf32, #tpu.memory_space<vmem>>
    tpu.enqueue_dma source(%dma_start3A_382 : memref<48x128xf32, #tpu.memory_space<vmem>>) target(%dma_start3A_378 : memref<48x128xf32, #tpu.memory_space<hbm>>) target_semaphore(%dma_start3A_375 : memref<!tpu.dma_semaphore, #tpu.memory_space<semaphore_mem>>)
    %dma_start3A_383 = arith.constant 0 : i32
    %dma_start3A_384 = arith.constant 0 : i32
    %dma_start3A_385 = arith.constant 48 : i32
    %dma_start3A_386 = arith.constant 0 : i32
    %dma_start3A_387 = tpu.memref_slice %arg8[%dma_start3A_383, %dma_start3A_385, %dma_start3A_386] : memref<2x56x128xf32, #tpu.memory_space<vmem>> -> memref<1x8x128xf32, #tpu.memory_space<vmem>>
    %dma_start3A_388 = tpu.memref_squeeze %dma_start3A_387 : memref<1x8x128xf32, #tpu.memory_space<vmem>> -> memref<8x128xf32, #tpu.memory_space<vmem>>
    %dma_start3A_389 = tpu.memref_slice %arg5[%add3A_326, %multiple_of3A_322, %multiple_of3A_324] : memref<1024x50x1000xf32, #tpu.memory_space<hbm>> -> memref<1x8x128xf32, #tpu.memory_space<hbm>>
    %dma_start3A_390 = tpu.memref_squeeze %dma_start3A_389 : memref<1x8x128xf32, #tpu.memory_space<hbm>> -> memref<8x128xf32, #tpu.memory_space<hbm>>
    %dma_start3A_391 = tpu.memref_slice %arg12[%dma_start3A_384] : memref<2x!tpu.dma_semaphore, #tpu.memory_space<semaphore_mem>> -> memref<1x!tpu.dma_semaphore, #tpu.memory_space<semaphore_mem>>
    %dma_start3A_392 = tpu.memref_squeeze %dma_start3A_391 : memref<1x!tpu.dma_semaphore, #tpu.memory_space<semaphore_mem>> -> memref<!tpu.dma_semaphore, #tpu.memory_space<semaphore_mem>>
    %dma_start3A_393 = tpu.memref_slice %arg5[%add3A_326, %multiple_of3A_322, %multiple_of3A_324] : memref<1024x50x1000xf32, #tpu.memory_space<hbm>> -> memref<1x8x128xf32, #tpu.memory_space<hbm>>
    %dma_start3A_394 = tpu.memref_squeeze %dma_start3A_393 : memref<1x8x128xf32, #tpu.memory_space<hbm>> -> memref<8x128xf32, #tpu.memory_space<hbm>>
    %dma_start3A_395 = arith.constant 48 : i32
    %dma_start3A_396 = arith.constant 0 : i32
    %dma_start3A_397 = tpu.memref_slice %arg8[%dma_start3A_383, %dma_start3A_395, %dma_start3A_396] : memref<2x56x128xf32, #tpu.memory_space<vmem>> -> memref<1x8x128xf32, #tpu.memory_space<vmem>>
    %dma_start3A_398 = tpu.memref_squeeze %dma_start3A_397 : memref<1x8x128xf32, #tpu.memory_space<vmem>> -> memref<8x128xf32, #tpu.memory_space<vmem>>
    tpu.enqueue_dma source(%dma_start3A_398 : memref<8x128xf32, #tpu.memory_space<vmem>>) target(%dma_start3A_394 : memref<8x128xf32, #tpu.memory_space<hbm>>) target_semaphore(%dma_start3A_392 : memref<!tpu.dma_semaphore, #tpu.memory_space<semaphore_mem>>)
    %multiple_of3A_399 = arith.constant 48 : i32
    %multiple_of3A_400 = tpu.assume_multiple %multiple_of3A_399, 8 : i32
    %multiple_of3A_401 = arith.constant 896 : i32
    %multiple_of3A_402 = tpu.assume_multiple %multiple_of3A_401, 128 : i32
    %add3A_403 = arith.constant 29 : i32
    %add3A_404 = arith.addi %mul3A_2, %add3A_403 : i32
    %dma_wait3A_405 = arith.constant 1 : i32
    %dma_wait3A_406 = arith.constant 1 : i32
    %dma_wait3A_407 = arith.constant 0 : i32
    %dma_wait3A_408 = arith.constant 0 : i32
    %dma_wait3A_409 = tpu.memref_slice %arg7[%dma_wait3A_405, %dma_wait3A_407, %dma_wait3A_408] : memref<2x56x896xf32, #tpu.memory_space<vmem>> -> memref<1x48x896xf32, #tpu.memory_space<vmem>>
    %dma_wait3A_410 = tpu.memref_squeeze %dma_wait3A_409 : memref<1x48x896xf32, #tpu.memory_space<vmem>> -> memref<48x896xf32, #tpu.memory_space<vmem>>
    %dma_wait3A_411 = arith.constant 0 : i32
    %dma_wait3A_412 = arith.constant 0 : i32
    %dma_wait3A_413 = tpu.memref_slice %arg5[%add3A_404, %dma_wait3A_411, %dma_wait3A_412] : memref<1024x50x1000xf32, #tpu.memory_space<hbm>> -> memref<1x48x896xf32, #tpu.memory_space<hbm>>
    %dma_wait3A_414 = tpu.memref_squeeze %dma_wait3A_413 : memref<1x48x896xf32, #tpu.memory_space<hbm>> -> memref<48x896xf32, #tpu.memory_space<hbm>>
    %dma_wait3A_415 = tpu.memref_slice %arg12[%dma_wait3A_406] : memref<2x!tpu.dma_semaphore, #tpu.memory_space<semaphore_mem>> -> memref<1x!tpu.dma_semaphore, #tpu.memory_space<semaphore_mem>>
    %dma_wait3A_416 = tpu.memref_squeeze %dma_wait3A_415 : memref<1x!tpu.dma_semaphore, #tpu.memory_space<semaphore_mem>> -> memref<!tpu.dma_semaphore, #tpu.memory_space<semaphore_mem>>
    %dma_wait3A_417 = arith.constant 0 : i32
    %dma_wait3A_418 = arith.constant 0 : i32
    %dma_wait3A_419 = tpu.memref_slice %arg5[%add3A_404, %dma_wait3A_417, %dma_wait3A_418] : memref<1024x50x1000xf32, #tpu.memory_space<hbm>> -> memref<1x48x896xf32, #tpu.memory_space<hbm>>
    %dma_wait3A_420 = tpu.memref_squeeze %dma_wait3A_419 : memref<1x48x896xf32, #tpu.memory_space<hbm>> -> memref<48x896xf32, #tpu.memory_space<hbm>>
    %dma_wait3A_421 = arith.constant 0 : i32
    %dma_wait3A_422 = arith.constant 0 : i32
    %dma_wait3A_423 = tpu.memref_slice %arg7[%dma_wait3A_405, %dma_wait3A_421, %dma_wait3A_422] : memref<2x56x896xf32, #tpu.memory_space<vmem>> -> memref<1x48x896xf32, #tpu.memory_space<vmem>>
    %dma_wait3A_424 = tpu.memref_squeeze %dma_wait3A_423 : memref<1x48x896xf32, #tpu.memory_space<vmem>> -> memref<48x896xf32, #tpu.memory_space<vmem>>
    tpu.wait_dma2 semaphore(%dma_wait3A_416 : memref<!tpu.dma_semaphore, #tpu.memory_space<semaphore_mem>>) src(%dma_wait3A_424 : memref<48x896xf32, #tpu.memory_space<vmem>>) dst(%dma_wait3A_420 : memref<48x896xf32, #tpu.memory_space<hbm>>)
    %dma_wait3A_425 = arith.constant 1 : i32
    %dma_wait3A_426 = arith.constant 1 : i32
    %dma_wait3A_427 = arith.constant 48 : i32
    %dma_wait3A_428 = arith.constant 0 : i32
    %dma_wait3A_429 = tpu.memref_slice %arg7[%dma_wait3A_425, %dma_wait3A_427, %dma_wait3A_428] : memref<2x56x896xf32, #tpu.memory_space<vmem>> -> memref<1x8x896xf32, #tpu.memory_space<vmem>>
    %dma_wait3A_430 = tpu.memref_squeeze %dma_wait3A_429 : memref<1x8x896xf32, #tpu.memory_space<vmem>> -> memref<8x896xf32, #tpu.memory_space<vmem>>
    %dma_wait3A_431 = arith.constant 0 : i32
    %dma_wait3A_432 = tpu.memref_slice %arg5[%add3A_404, %multiple_of3A_400, %dma_wait3A_431] : memref<1024x50x1000xf32, #tpu.memory_space<hbm>> -> memref<1x8x896xf32, #tpu.memory_space<hbm>>
    %dma_wait3A_433 = tpu.memref_squeeze %dma_wait3A_432 : memref<1x8x896xf32, #tpu.memory_space<hbm>> -> memref<8x896xf32, #tpu.memory_space<hbm>>
    %dma_wait3A_434 = tpu.memref_slice %arg12[%dma_wait3A_426] : memref<2x!tpu.dma_semaphore, #tpu.memory_space<semaphore_mem>> -> memref<1x!tpu.dma_semaphore, #tpu.memory_space<semaphore_mem>>
    %dma_wait3A_435 = tpu.memref_squeeze %dma_wait3A_434 : memref<1x!tpu.dma_semaphore, #tpu.memory_space<semaphore_mem>> -> memref<!tpu.dma_semaphore, #tpu.memory_space<semaphore_mem>>
    %dma_wait3A_436 = arith.constant 0 : i32
    %dma_wait3A_437 = tpu.memref_slice %arg5[%add3A_404, %multiple_of3A_400, %dma_wait3A_436] : memref<1024x50x1000xf32, #tpu.memory_space<hbm>> -> memref<1x8x896xf32, #tpu.memory_space<hbm>>
    %dma_wait3A_438 = tpu.memref_squeeze %dma_wait3A_437 : memref<1x8x896xf32, #tpu.memory_space<hbm>> -> memref<8x896xf32, #tpu.memory_space<hbm>>
    %dma_wait3A_439 = arith.constant 48 : i32
    %dma_wait3A_440 = arith.constant 0 : i32
    %dma_wait3A_441 = tpu.memref_slice %arg7[%dma_wait3A_425, %dma_wait3A_439, %dma_wait3A_440] : memref<2x56x896xf32, #tpu.memory_space<vmem>> -> memref<1x8x896xf32, #tpu.memory_space<vmem>>
    %dma_wait3A_442 = tpu.memref_squeeze %dma_wait3A_441 : memref<1x8x896xf32, #tpu.memory_space<vmem>> -> memref<8x896xf32, #tpu.memory_space<vmem>>
    tpu.wait_dma2 semaphore(%dma_wait3A_435 : memref<!tpu.dma_semaphore, #tpu.memory_space<semaphore_mem>>) src(%dma_wait3A_442 : memref<8x896xf32, #tpu.memory_space<vmem>>) dst(%dma_wait3A_438 : memref<8x896xf32, #tpu.memory_space<hbm>>)
    %dma_wait3A_443 = arith.constant 1 : i32
    %dma_wait3A_444 = arith.constant 1 : i32
    %dma_wait3A_445 = arith.constant 0 : i32
    %dma_wait3A_446 = arith.constant 0 : i32
    %dma_wait3A_447 = tpu.memref_slice %arg8[%dma_wait3A_443, %dma_wait3A_445, %dma_wait3A_446] : memref<2x56x128xf32, #tpu.memory_space<vmem>> -> memref<1x48x128xf32, #tpu.memory_space<vmem>>
    %dma_wait3A_448 = tpu.memref_squeeze %dma_wait3A_447 : memref<1x48x128xf32, #tpu.memory_space<vmem>> -> memref<48x128xf32, #tpu.memory_space<vmem>>
    %dma_wait3A_449 = arith.constant 0 : i32
    %dma_wait3A_450 = tpu.memref_slice %arg5[%add3A_404, %dma_wait3A_449, %multiple_of3A_402] : memref<1024x50x1000xf32, #tpu.memory_space<hbm>> -> memref<1x48x128xf32, #tpu.memory_space<hbm>>
    %dma_wait3A_451 = tpu.memref_squeeze %dma_wait3A_450 : memref<1x48x128xf32, #tpu.memory_space<hbm>> -> memref<48x128xf32, #tpu.memory_space<hbm>>
    %dma_wait3A_452 = tpu.memref_slice %arg12[%dma_wait3A_444] : memref<2x!tpu.dma_semaphore, #tpu.memory_space<semaphore_mem>> -> memref<1x!tpu.dma_semaphore, #tpu.memory_space<semaphore_mem>>
    %dma_wait3A_453 = tpu.memref_squeeze %dma_wait3A_452 : memref<1x!tpu.dma_semaphore, #tpu.memory_space<semaphore_mem>> -> memref<!tpu.dma_semaphore, #tpu.memory_space<semaphore_mem>>
    %dma_wait3A_454 = arith.constant 0 : i32
    %dma_wait3A_455 = tpu.memref_slice %arg5[%add3A_404, %dma_wait3A_454, %multiple_of3A_402] : memref<1024x50x1000xf32, #tpu.memory_space<hbm>> -> memref<1x48x128xf32, #tpu.memory_space<hbm>>
    %dma_wait3A_456 = tpu.memref_squeeze %dma_wait3A_455 : memref<1x48x128xf32, #tpu.memory_space<hbm>> -> memref<48x128xf32, #tpu.memory_space<hbm>>
    %dma_wait3A_457 = arith.constant 0 : i32
    %dma_wait3A_458 = arith.constant 0 : i32
    %dma_wait3A_459 = tpu.memref_slice %arg8[%dma_wait3A_443, %dma_wait3A_457, %dma_wait3A_458] : memref<2x56x128xf32, #tpu.memory_space<vmem>> -> memref<1x48x128xf32, #tpu.memory_space<vmem>>
    %dma_wait3A_460 = tpu.memref_squeeze %dma_wait3A_459 : memref<1x48x128xf32, #tpu.memory_space<vmem>> -> memref<48x128xf32, #tpu.memory_space<vmem>>
    tpu.wait_dma2 semaphore(%dma_wait3A_453 : memref<!tpu.dma_semaphore, #tpu.memory_space<semaphore_mem>>) src(%dma_wait3A_460 : memref<48x128xf32, #tpu.memory_space<vmem>>) dst(%dma_wait3A_456 : memref<48x128xf32, #tpu.memory_space<hbm>>)
    %dma_wait3A_461 = arith.constant 1 : i32
    %dma_wait3A_462 = arith.constant 1 : i32
    %dma_wait3A_463 = arith.constant 48 : i32
    %dma_wait3A_464 = arith.constant 0 : i32
    %dma_wait3A_465 = tpu.memref_slice %arg8[%dma_wait3A_461, %dma_wait3A_463, %dma_wait3A_464] : memref<2x56x128xf32, #tpu.memory_space<vmem>> -> memref<1x8x128xf32, #tpu.memory_space<vmem>>
    %dma_wait3A_466 = tpu.memref_squeeze %dma_wait3A_465 : memref<1x8x128xf32, #tpu.memory_space<vmem>> -> memref<8x128xf32, #tpu.memory_space<vmem>>
    %dma_wait3A_467 = tpu.memref_slice %arg5[%add3A_404, %multiple_of3A_400, %multiple_of3A_402] : memref<1024x50x1000xf32, #tpu.memory_space<hbm>> -> memref<1x8x128xf32, #tpu.memory_space<hbm>>
    %dma_wait3A_468 = tpu.memref_squeeze %dma_wait3A_467 : memref<1x8x128xf32, #tpu.memory_space<hbm>> -> memref<8x128xf32, #tpu.memory_space<hbm>>
    %dma_wait3A_469 = tpu.memref_slice %arg12[%dma_wait3A_462] : memref<2x!tpu.dma_semaphore, #tpu.memory_space<semaphore_mem>> -> memref<1x!tpu.dma_semaphore, #tpu.memory_space<semaphore_mem>>
    %dma_wait3A_470 = tpu.memref_squeeze %dma_wait3A_469 : memref<1x!tpu.dma_semaphore, #tpu.memory_space<semaphore_mem>> -> memref<!tpu.dma_semaphore, #tpu.memory_space<semaphore_mem>>
    %dma_wait3A_471 = tpu.memref_slice %arg5[%add3A_404, %multiple_of3A_400, %multiple_of3A_402] : memref<1024x50x1000xf32, #tpu.memory_space<hbm>> -> memref<1x8x128xf32, #tpu.memory_space<hbm>>
    %dma_wait3A_472 = tpu.memref_squeeze %dma_wait3A_471 : memref<1x8x128xf32, #tpu.memory_space<hbm>> -> memref<8x128xf32, #tpu.memory_space<hbm>>
    %dma_wait3A_473 = arith.constant 48 : i32
    %dma_wait3A_474 = arith.constant 0 : i32
    %dma_wait3A_475 = tpu.memref_slice %arg8[%dma_wait3A_461, %dma_wait3A_473, %dma_wait3A_474] : memref<2x56x128xf32, #tpu.memory_space<vmem>> -> memref<1x8x128xf32, #tpu.memory_space<vmem>>
    %dma_wait3A_476 = tpu.memref_squeeze %dma_wait3A_475 : memref<1x8x128xf32, #tpu.memory_space<vmem>> -> memref<8x128xf32, #tpu.memory_space<vmem>>
    tpu.wait_dma2 semaphore(%dma_wait3A_470 : memref<!tpu.dma_semaphore, #tpu.memory_space<semaphore_mem>>) src(%dma_wait3A_476 : memref<8x128xf32, #tpu.memory_space<vmem>>) dst(%dma_wait3A_472 : memref<8x128xf32, #tpu.memory_space<hbm>>)
    %add3A_477 = arith.constant 31 : i32
    %add3A_478 = arith.addi %mul3A_2, %add3A_477 : i32
    %dma_wait3A_479 = arith.constant 1 : i32
    %dma_wait3A_480 = arith.constant 1 : i32
    %dma_wait3A_481 = arith.constant 0 : i32
    %dma_wait3A_482 = arith.constant 0 : i32
    %dma_wait3A_483 = tpu.memref_slice %arg6[%dma_wait3A_479, %dma_wait3A_481, %dma_wait3A_482] : memref<2x1x56xi32, #tpu.memory_space<vmem>> -> memref<1x1x56xi32, #tpu.memory_space<vmem>>
    %dma_wait3A_484 = tpu.memref_squeeze %dma_wait3A_483 : memref<1x1x56xi32, #tpu.memory_space<vmem>> -> memref<1x56xi32, #tpu.memory_space<vmem>>
    %dma_wait3A_485 = arith.constant 0 : i32
    %dma_wait3A_486 = arith.constant 0 : i32
    %dma_wait3A_487 = tpu.memref_slice %arg2[%add3A_478, %dma_wait3A_485, %dma_wait3A_486] : memref<1024x1x56xi32, #tpu.memory_space<hbm>> -> memref<1x1x56xi32, #tpu.memory_space<hbm>>
    %dma_wait3A_488 = tpu.memref_squeeze %dma_wait3A_487 : memref<1x1x56xi32, #tpu.memory_space<hbm>> -> memref<1x56xi32, #tpu.memory_space<hbm>>
    %dma_wait3A_489 = tpu.memref_slice %arg9[%dma_wait3A_480] : memref<2x!tpu.dma_semaphore, #tpu.memory_space<semaphore_mem>> -> memref<1x!tpu.dma_semaphore, #tpu.memory_space<semaphore_mem>>
    %dma_wait3A_490 = tpu.memref_squeeze %dma_wait3A_489 : memref<1x!tpu.dma_semaphore, #tpu.memory_space<semaphore_mem>> -> memref<!tpu.dma_semaphore, #tpu.memory_space<semaphore_mem>>
    %dma_wait3A_491 = arith.constant 0 : i32
    %dma_wait3A_492 = arith.constant 0 : i32
    %dma_wait3A_493 = tpu.memref_slice %arg6[%dma_wait3A_479, %dma_wait3A_491, %dma_wait3A_492] : memref<2x1x56xi32, #tpu.memory_space<vmem>> -> memref<1x1x56xi32, #tpu.memory_space<vmem>>
    %dma_wait3A_494 = tpu.memref_squeeze %dma_wait3A_493 : memref<1x1x56xi32, #tpu.memory_space<vmem>> -> memref<1x56xi32, #tpu.memory_space<vmem>>
    %dma_wait3A_495 = arith.constant 0 : i32
    %dma_wait3A_496 = arith.constant 0 : i32
    %dma_wait3A_497 = tpu.memref_slice %arg2[%add3A_478, %dma_wait3A_495, %dma_wait3A_496] : memref<1024x1x56xi32, #tpu.memory_space<hbm>> -> memref<1x1x56xi32, #tpu.memory_space<hbm>>
    %dma_wait3A_498 = tpu.memref_squeeze %dma_wait3A_497 : memref<1x1x56xi32, #tpu.memory_space<hbm>> -> memref<1x56xi32, #tpu.memory_space<hbm>>
    tpu.wait_dma2 semaphore(%dma_wait3A_490 : memref<!tpu.dma_semaphore, #tpu.memory_space<semaphore_mem>>) src(%dma_wait3A_498 : memref<1x56xi32, #tpu.memory_space<hbm>>) dst(%dma_wait3A_494 : memref<1x56xi32, #tpu.memory_space<vmem>>)
    %dma_start3A_499 = arith.constant 1 : i32
    %dma_start3A_500 = arith.constant 0 : i32
    %dma_start3A_501 = arith.constant 1 : i32
    %dma_start3A_502 = arith.constant 1 : i32
    %dma_start3A_503 = arith.constant 0 : i32
    %dma_start3A_504 = arith.constant 0 : i32
    %dma_start3A_505 = tpu.memref_slice %arg7[%dma_start3A_501, %dma_start3A_503, %dma_start3A_504] : memref<2x56x896xf32, #tpu.memory_space<vmem>> -> memref<1x56x896xf32, #tpu.memory_space<vmem>>
    %dma_start3A_506 = tpu.memref_squeeze %dma_start3A_505 : memref<1x56x896xf32, #tpu.memory_space<vmem>> -> memref<56x896xf32, #tpu.memory_space<vmem>>
    %dma_start3A_507 = arith.constant 0 : i32
    %dma_start3A_508 = tpu.memref_slice %arg6[%dma_start3A_499, %dma_start3A_500, %dma_start3A_507] : memref<2x1x56xi32, #tpu.memory_space<vmem>> -> memref<1x1x56xi32, #tpu.memory_space<vmem>>
    %dma_start3A_509 = tpu.memref_squeeze %dma_start3A_508 : memref<1x1x56xi32, #tpu.memory_space<vmem>> -> memref<56xi32, #tpu.memory_space<vmem>>
    %dma_start3A_510 = arith.constant 0 : i32
    %dma_start3A_511 = arith.constant 0 : i32
    %dma_start3A_512 = tpu.memref_slice %arg3[%dma_start3A_510, %dma_start3A_511] : memref<1000x896xf32, #tpu.memory_space<hbm>> -> memref<1000x896xf32, #tpu.memory_space<hbm>>
    %dma_start3A_513 = tpu.memref_slice %arg10[%dma_start3A_502] : memref<2x!tpu.dma_semaphore, #tpu.memory_space<semaphore_mem>> -> memref<1x!tpu.dma_semaphore, #tpu.memory_space<semaphore_mem>>
    %dma_start3A_514 = tpu.memref_squeeze %dma_start3A_513 : memref<1x!tpu.dma_semaphore, #tpu.memory_space<semaphore_mem>> -> memref<!tpu.dma_semaphore, #tpu.memory_space<semaphore_mem>>
    tpu.enqueue_indirect_dma source(%dma_start3A_512 : memref<1000x896xf32, #tpu.memory_space<hbm>>) target(%dma_start3A_506 : memref<56x896xf32, #tpu.memory_space<vmem>>) offsets(%dma_start3A_509 : memref<56xi32, #tpu.memory_space<vmem>>) semaphore(%dma_start3A_514 : memref<!tpu.dma_semaphore, #tpu.memory_space<semaphore_mem>>)
    %dma_start3A_515 = arith.constant 1 : i32
    %dma_start3A_516 = arith.constant 0 : i32
    %dma_start3A_517 = arith.constant 1 : i32
    %dma_start3A_518 = arith.constant 1 : i32
    %dma_start3A_519 = arith.constant 0 : i32
    %dma_start3A_520 = arith.constant 0 : i32
    %dma_start3A_521 = tpu.memref_slice %arg8[%dma_start3A_517, %dma_start3A_519, %dma_start3A_520] : memref<2x56x128xf32, #tpu.memory_space<vmem>> -> memref<1x56x128xf32, #tpu.memory_space<vmem>>
    %dma_start3A_522 = tpu.memref_squeeze %dma_start3A_521 : memref<1x56x128xf32, #tpu.memory_space<vmem>> -> memref<56x128xf32, #tpu.memory_space<vmem>>
    %dma_start3A_523 = arith.constant 0 : i32
    %dma_start3A_524 = tpu.memref_slice %arg6[%dma_start3A_515, %dma_start3A_516, %dma_start3A_523] : memref<2x1x56xi32, #tpu.memory_space<vmem>> -> memref<1x1x56xi32, #tpu.memory_space<vmem>>
    %dma_start3A_525 = tpu.memref_squeeze %dma_start3A_524 : memref<1x1x56xi32, #tpu.memory_space<vmem>> -> memref<56xi32, #tpu.memory_space<vmem>>
    %dma_start3A_526 = arith.constant 0 : i32
    %dma_start3A_527 = arith.constant 0 : i32
    %dma_start3A_528 = tpu.memref_slice %arg4[%dma_start3A_526, %dma_start3A_527] : memref<1000x128xf32, #tpu.memory_space<hbm>> -> memref<1000x128xf32, #tpu.memory_space<hbm>>
    %dma_start3A_529 = tpu.memref_slice %arg11[%dma_start3A_518] : memref<2x!tpu.dma_semaphore, #tpu.memory_space<semaphore_mem>> -> memref<1x!tpu.dma_semaphore, #tpu.memory_space<semaphore_mem>>
    %dma_start3A_530 = tpu.memref_squeeze %dma_start3A_529 : memref<1x!tpu.dma_semaphore, #tpu.memory_space<semaphore_mem>> -> memref<!tpu.dma_semaphore, #tpu.memory_space<semaphore_mem>>
    tpu.enqueue_indirect_dma source(%dma_start3A_528 : memref<1000x128xf32, #tpu.memory_space<hbm>>) target(%dma_start3A_522 : memref<56x128xf32, #tpu.memory_space<vmem>>) offsets(%dma_start3A_525 : memref<56xi32, #tpu.memory_space<vmem>>) semaphore(%dma_start3A_530 : memref<!tpu.dma_semaphore, #tpu.memory_space<semaphore_mem>>)
    %dma_wait3A_531 = arith.constant 1 : i32
    %dma_wait3A_532 = arith.constant 0 : i32
    %dma_wait3A_533 = arith.constant 1 : i32
    %dma_wait3A_534 = arith.constant 1 : i32
    %dma_wait3A_535 = arith.constant 0 : i32
    %dma_wait3A_536 = arith.constant 0 : i32
    %dma_wait3A_537 = tpu.memref_slice %arg7[%dma_wait3A_533, %dma_wait3A_535, %dma_wait3A_536] : memref<2x56x896xf32, #tpu.memory_space<vmem>> -> memref<1x56x896xf32, #tpu.memory_space<vmem>>
    %dma_wait3A_538 = tpu.memref_squeeze %dma_wait3A_537 : memref<1x56x896xf32, #tpu.memory_space<vmem>> -> memref<56x896xf32, #tpu.memory_space<vmem>>
    %dma_wait3A_539 = arith.constant 0 : i32
    %dma_wait3A_540 = tpu.memref_slice %arg6[%dma_wait3A_531, %dma_wait3A_532, %dma_wait3A_539] : memref<2x1x56xi32, #tpu.memory_space<vmem>> -> memref<1x1x56xi32, #tpu.memory_space<vmem>>
    %dma_wait3A_541 = tpu.memref_squeeze %dma_wait3A_540 : memref<1x1x56xi32, #tpu.memory_space<vmem>> -> memref<56xi32, #tpu.memory_space<vmem>>
    %dma_wait3A_542 = arith.constant 0 : i32
    %dma_wait3A_543 = arith.constant 0 : i32
    %dma_wait3A_544 = tpu.memref_slice %arg3[%dma_wait3A_542, %dma_wait3A_543] : memref<1000x896xf32, #tpu.memory_space<hbm>> -> memref<1000x896xf32, #tpu.memory_space<hbm>>
    %dma_wait3A_545 = tpu.memref_slice %arg10[%dma_wait3A_534] : memref<2x!tpu.dma_semaphore, #tpu.memory_space<semaphore_mem>> -> memref<1x!tpu.dma_semaphore, #tpu.memory_space<semaphore_mem>>
    %dma_wait3A_546 = tpu.memref_squeeze %dma_wait3A_545 : memref<1x!tpu.dma_semaphore, #tpu.memory_space<semaphore_mem>> -> memref<!tpu.dma_semaphore, #tpu.memory_space<semaphore_mem>>
    tpu.wait_indirect_dma semaphore(%dma_wait3A_546 : memref<!tpu.dma_semaphore, #tpu.memory_space<semaphore_mem>>) src(%dma_wait3A_544 : memref<1000x896xf32, #tpu.memory_space<hbm>>) dst(%dma_wait3A_538 : memref<56x896xf32, #tpu.memory_space<vmem>>)
    %dma_wait3A_547 = arith.constant 1 : i32
    %dma_wait3A_548 = arith.constant 0 : i32
    %dma_wait3A_549 = arith.constant 1 : i32
    %dma_wait3A_550 = arith.constant 1 : i32
    %dma_wait3A_551 = arith.constant 0 : i32
    %dma_wait3A_552 = arith.constant 0 : i32
    %dma_wait3A_553 = tpu.memref_slice %arg8[%dma_wait3A_549, %dma_wait3A_551, %dma_wait3A_552] : memref<2x56x128xf32, #tpu.memory_space<vmem>> -> memref<1x56x128xf32, #tpu.memory_space<vmem>>
    %dma_wait3A_554 = tpu.memref_squeeze %dma_wait3A_553 : memref<1x56x128xf32, #tpu.memory_space<vmem>> -> memref<56x128xf32, #tpu.memory_space<vmem>>
    %dma_wait3A_555 = arith.constant 0 : i32
    %dma_wait3A_556 = tpu.memref_slice %arg6[%dma_wait3A_547, %dma_wait3A_548, %dma_wait3A_555] : memref<2x1x56xi32, #tpu.memory_space<vmem>> -> memref<1x1x56xi32, #tpu.memory_space<vmem>>
    %dma_wait3A_557 = tpu.memref_squeeze %dma_wait3A_556 : memref<1x1x56xi32, #tpu.memory_space<vmem>> -> memref<56xi32, #tpu.memory_space<vmem>>
    %dma_wait3A_558 = arith.constant 0 : i32
    %dma_wait3A_559 = arith.constant 0 : i32
    %dma_wait3A_560 = tpu.memref_slice %arg4[%dma_wait3A_558, %dma_wait3A_559] : memref<1000x128xf32, #tpu.memory_space<hbm>> -> memref<1000x128xf32, #tpu.memory_space<hbm>>
    %dma_wait3A_561 = tpu.memref_slice %arg11[%dma_wait3A_550] : memref<2x!tpu.dma_semaphore, #tpu.memory_space<semaphore_mem>> -> memref<1x!tpu.dma_semaphore, #tpu.memory_space<semaphore_mem>>
    %dma_wait3A_562 = tpu.memref_squeeze %dma_wait3A_561 : memref<1x!tpu.dma_semaphore, #tpu.memory_space<semaphore_mem>> -> memref<!tpu.dma_semaphore, #tpu.memory_space<semaphore_mem>>
    tpu.wait_indirect_dma semaphore(%dma_wait3A_562 : memref<!tpu.dma_semaphore, #tpu.memory_space<semaphore_mem>>) src(%dma_wait3A_560 : memref<1000x128xf32, #tpu.memory_space<hbm>>) dst(%dma_wait3A_554 : memref<56x128xf32, #tpu.memory_space<vmem>>)
    %multiple_of3A_563 = arith.constant 48 : i32
    %multiple_of3A_564 = tpu.assume_multiple %multiple_of3A_563, 8 : i32
    %multiple_of3A_565 = arith.constant 896 : i32
    %multiple_of3A_566 = tpu.assume_multiple %multiple_of3A_565, 128 : i32
    %add3A_567 = arith.constant 31 : i32
    %add3A_568 = arith.addi %mul3A_2, %add3A_567 : i32
    %dma_start3A_569 = arith.constant 1 : i32
    %dma_start3A_570 = arith.constant 1 : i32
    %dma_start3A_571 = arith.constant 0 : i32
    %dma_start3A_572 = arith.constant 0 : i32
    %dma_start3A_573 = tpu.memref_slice %arg7[%dma_start3A_569, %dma_start3A_571, %dma_start3A_572] : memref<2x56x896xf32, #tpu.memory_space<vmem>> -> memref<1x48x896xf32, #tpu.memory_space<vmem>>
    %dma_start3A_574 = tpu.memref_squeeze %dma_start3A_573 : memref<1x48x896xf32, #tpu.memory_space<vmem>> -> memref<48x896xf32, #tpu.memory_space<vmem>>
    %dma_start3A_575 = arith.constant 0 : i32
    %dma_start3A_576 = arith.constant 0 : i32
    %dma_start3A_577 = tpu.memref_slice %arg5[%add3A_568, %dma_start3A_575, %dma_start3A_576] : memref<1024x50x1000xf32, #tpu.memory_space<hbm>> -> memref<1x48x896xf32, #tpu.memory_space<hbm>>
    %dma_start3A_578 = tpu.memref_squeeze %dma_start3A_577 : memref<1x48x896xf32, #tpu.memory_space<hbm>> -> memref<48x896xf32, #tpu.memory_space<hbm>>
    %dma_start3A_579 = tpu.memref_slice %arg12[%dma_start3A_570] : memref<2x!tpu.dma_semaphore, #tpu.memory_space<semaphore_mem>> -> memref<1x!tpu.dma_semaphore, #tpu.memory_space<semaphore_mem>>
    %dma_start3A_580 = tpu.memref_squeeze %dma_start3A_579 : memref<1x!tpu.dma_semaphore, #tpu.memory_space<semaphore_mem>> -> memref<!tpu.dma_semaphore, #tpu.memory_space<semaphore_mem>>
    %dma_start3A_581 = arith.constant 0 : i32
    %dma_start3A_582 = arith.constant 0 : i32
    %dma_start3A_583 = tpu.memref_slice %arg5[%add3A_568, %dma_start3A_581, %dma_start3A_582] : memref<1024x50x1000xf32, #tpu.memory_space<hbm>> -> memref<1x48x896xf32, #tpu.memory_space<hbm>>
    %dma_start3A_584 = tpu.memref_squeeze %dma_start3A_583 : memref<1x48x896xf32, #tpu.memory_space<hbm>> -> memref<48x896xf32, #tpu.memory_space<hbm>>
    %dma_start3A_585 = arith.constant 0 : i32
    %dma_start3A_586 = arith.constant 0 : i32
    %dma_start3A_587 = tpu.memref_slice %arg7[%dma_start3A_569, %dma_start3A_585, %dma_start3A_586] : memref<2x56x896xf32, #tpu.memory_space<vmem>> -> memref<1x48x896xf32, #tpu.memory_space<vmem>>
    %dma_start3A_588 = tpu.memref_squeeze %dma_start3A_587 : memref<1x48x896xf32, #tpu.memory_space<vmem>> -> memref<48x896xf32, #tpu.memory_space<vmem>>
    tpu.enqueue_dma source(%dma_start3A_588 : memref<48x896xf32, #tpu.memory_space<vmem>>) target(%dma_start3A_584 : memref<48x896xf32, #tpu.memory_space<hbm>>) target_semaphore(%dma_start3A_580 : memref<!tpu.dma_semaphore, #tpu.memory_space<semaphore_mem>>)
    %dma_start3A_589 = arith.constant 1 : i32
    %dma_start3A_590 = arith.constant 1 : i32
    %dma_start3A_591 = arith.constant 48 : i32
    %dma_start3A_592 = arith.constant 0 : i32
    %dma_start3A_593 = tpu.memref_slice %arg7[%dma_start3A_589, %dma_start3A_591, %dma_start3A_592] : memref<2x56x896xf32, #tpu.memory_space<vmem>> -> memref<1x8x896xf32, #tpu.memory_space<vmem>>
    %dma_start3A_594 = tpu.memref_squeeze %dma_start3A_593 : memref<1x8x896xf32, #tpu.memory_space<vmem>> -> memref<8x896xf32, #tpu.memory_space<vmem>>
    %dma_start3A_595 = arith.constant 0 : i32
    %dma_start3A_596 = tpu.memref_slice %arg5[%add3A_568, %multiple_of3A_564, %dma_start3A_595] : memref<1024x50x1000xf32, #tpu.memory_space<hbm>> -> memref<1x8x896xf32, #tpu.memory_space<hbm>>
    %dma_start3A_597 = tpu.memref_squeeze %dma_start3A_596 : memref<1x8x896xf32, #tpu.memory_space<hbm>> -> memref<8x896xf32, #tpu.memory_space<hbm>>
    %dma_start3A_598 = tpu.memref_slice %arg12[%dma_start3A_590] : memref<2x!tpu.dma_semaphore, #tpu.memory_space<semaphore_mem>> -> memref<1x!tpu.dma_semaphore, #tpu.memory_space<semaphore_mem>>
    %dma_start3A_599 = tpu.memref_squeeze %dma_start3A_598 : memref<1x!tpu.dma_semaphore, #tpu.memory_space<semaphore_mem>> -> memref<!tpu.dma_semaphore, #tpu.memory_space<semaphore_mem>>
    %dma_start3A_600 = arith.constant 0 : i32
    %dma_start3A_601 = tpu.memref_slice %arg5[%add3A_568, %multiple_of3A_564, %dma_start3A_600] : memref<1024x50x1000xf32, #tpu.memory_space<hbm>> -> memref<1x8x896xf32, #tpu.memory_space<hbm>>
    %dma_start3A_602 = tpu.memref_squeeze %dma_start3A_601 : memref<1x8x896xf32, #tpu.memory_space<hbm>> -> memref<8x896xf32, #tpu.memory_space<hbm>>
    %dma_start3A_603 = arith.constant 48 : i32
    %dma_start3A_604 = arith.constant 0 : i32
    %dma_start3A_605 = tpu.memref_slice %arg7[%dma_start3A_589, %dma_start3A_603, %dma_start3A_604] : memref<2x56x896xf32, #tpu.memory_space<vmem>> -> memref<1x8x896xf32, #tpu.memory_space<vmem>>
    %dma_start3A_606 = tpu.memref_squeeze %dma_start3A_605 : memref<1x8x896xf32, #tpu.memory_space<vmem>> -> memref<8x896xf32, #tpu.memory_space<vmem>>
    tpu.enqueue_dma source(%dma_start3A_606 : memref<8x896xf32, #tpu.memory_space<vmem>>) target(%dma_start3A_602 : memref<8x896xf32, #tpu.memory_space<hbm>>) target_semaphore(%dma_start3A_599 : memref<!tpu.dma_semaphore, #tpu.memory_space<semaphore_mem>>)
    %dma_start3A_607 = arith.constant 1 : i32
    %dma_start3A_608 = arith.constant 1 : i32
    %dma_start3A_609 = arith.constant 0 : i32
    %dma_start3A_610 = arith.constant 0 : i32
    %dma_start3A_611 = tpu.memref_slice %arg8[%dma_start3A_607, %dma_start3A_609, %dma_start3A_610] : memref<2x56x128xf32, #tpu.memory_space<vmem>> -> memref<1x48x128xf32, #tpu.memory_space<vmem>>
    %dma_start3A_612 = tpu.memref_squeeze %dma_start3A_611 : memref<1x48x128xf32, #tpu.memory_space<vmem>> -> memref<48x128xf32, #tpu.memory_space<vmem>>
    %dma_start3A_613 = arith.constant 0 : i32
    %dma_start3A_614 = tpu.memref_slice %arg5[%add3A_568, %dma_start3A_613, %multiple_of3A_566] : memref<1024x50x1000xf32, #tpu.memory_space<hbm>> -> memref<1x48x128xf32, #tpu.memory_space<hbm>>
    %dma_start3A_615 = tpu.memref_squeeze %dma_start3A_614 : memref<1x48x128xf32, #tpu.memory_space<hbm>> -> memref<48x128xf32, #tpu.memory_space<hbm>>
    %dma_start3A_616 = tpu.memref_slice %arg12[%dma_start3A_608] : memref<2x!tpu.dma_semaphore, #tpu.memory_space<semaphore_mem>> -> memref<1x!tpu.dma_semaphore, #tpu.memory_space<semaphore_mem>>
    %dma_start3A_617 = tpu.memref_squeeze %dma_start3A_616 : memref<1x!tpu.dma_semaphore, #tpu.memory_space<semaphore_mem>> -> memref<!tpu.dma_semaphore, #tpu.memory_space<semaphore_mem>>
    %dma_start3A_618 = arith.constant 0 : i32
    %dma_start3A_619 = tpu.memref_slice %arg5[%add3A_568, %dma_start3A_618, %multiple_of3A_566] : memref<1024x50x1000xf32, #tpu.memory_space<hbm>> -> memref<1x48x128xf32, #tpu.memory_space<hbm>>
    %dma_start3A_620 = tpu.memref_squeeze %dma_start3A_619 : memref<1x48x128xf32, #tpu.memory_space<hbm>> -> memref<48x128xf32, #tpu.memory_space<hbm>>
    %dma_start3A_621 = arith.constant 0 : i32
    %dma_start3A_622 = arith.constant 0 : i32
    %dma_start3A_623 = tpu.memref_slice %arg8[%dma_start3A_607, %dma_start3A_621, %dma_start3A_622] : memref<2x56x128xf32, #tpu.memory_space<vmem>> -> memref<1x48x128xf32, #tpu.memory_space<vmem>>
    %dma_start3A_624 = tpu.memref_squeeze %dma_start3A_623 : memref<1x48x128xf32, #tpu.memory_space<vmem>> -> memref<48x128xf32, #tpu.memory_space<vmem>>
    tpu.enqueue_dma source(%dma_start3A_624 : memref<48x128xf32, #tpu.memory_space<vmem>>) target(%dma_start3A_620 : memref<48x128xf32, #tpu.memory_space<hbm>>) target_semaphore(%dma_start3A_617 : memref<!tpu.dma_semaphore, #tpu.memory_space<semaphore_mem>>)
    %dma_start3A_625 = arith.constant 1 : i32
    %dma_start3A_626 = arith.constant 1 : i32
    %dma_start3A_627 = arith.constant 48 : i32
    %dma_start3A_628 = arith.constant 0 : i32
    %dma_start3A_629 = tpu.memref_slice %arg8[%dma_start3A_625, %dma_start3A_627, %dma_start3A_628] : memref<2x56x128xf32, #tpu.memory_space<vmem>> -> memref<1x8x128xf32, #tpu.memory_space<vmem>>
    %dma_start3A_630 = tpu.memref_squeeze %dma_start3A_629 : memref<1x8x128xf32, #tpu.memory_space<vmem>> -> memref<8x128xf32, #tpu.memory_space<vmem>>
    %dma_start3A_631 = tpu.memref_slice %arg5[%add3A_568, %multiple_of3A_564, %multiple_of3A_566] : memref<1024x50x1000xf32, #tpu.memory_space<hbm>> -> memref<1x8x128xf32, #tpu.memory_space<hbm>>
    %dma_start3A_632 = tpu.memref_squeeze %dma_start3A_631 : memref<1x8x128xf32, #tpu.memory_space<hbm>> -> memref<8x128xf32, #tpu.memory_space<hbm>>
    %dma_start3A_633 = tpu.memref_slice %arg12[%dma_start3A_626] : memref<2x!tpu.dma_semaphore, #tpu.memory_space<semaphore_mem>> -> memref<1x!tpu.dma_semaphore, #tpu.memory_space<semaphore_mem>>
    %dma_start3A_634 = tpu.memref_squeeze %dma_start3A_633 : memref<1x!tpu.dma_semaphore, #tpu.memory_space<semaphore_mem>> -> memref<!tpu.dma_semaphore, #tpu.memory_space<semaphore_mem>>
    %dma_start3A_635 = tpu.memref_slice %arg5[%add3A_568, %multiple_of3A_564, %multiple_of3A_566] : memref<1024x50x1000xf32, #tpu.memory_space<hbm>> -> memref<1x8x128xf32, #tpu.memory_space<hbm>>
    %dma_start3A_636 = tpu.memref_squeeze %dma_start3A_635 : memref<1x8x128xf32, #tpu.memory_space<hbm>> -> memref<8x128xf32, #tpu.memory_space<hbm>>
    %dma_start3A_637 = arith.constant 48 : i32
    %dma_start3A_638 = arith.constant 0 : i32
    %dma_start3A_639 = tpu.memref_slice %arg8[%dma_start3A_625, %dma_start3A_637, %dma_start3A_638] : memref<2x56x128xf32, #tpu.memory_space<vmem>> -> memref<1x8x128xf32, #tpu.memory_space<vmem>>
    %dma_start3A_640 = tpu.memref_squeeze %dma_start3A_639 : memref<1x8x128xf32, #tpu.memory_space<vmem>> -> memref<8x128xf32, #tpu.memory_space<vmem>>
    tpu.enqueue_dma source(%dma_start3A_640 : memref<8x128xf32, #tpu.memory_space<vmem>>) target(%dma_start3A_636 : memref<8x128xf32, #tpu.memory_space<hbm>>) target_semaphore(%dma_start3A_634 : memref<!tpu.dma_semaphore, #tpu.memory_space<semaphore_mem>>)
    %multiple_of3A_641 = arith.constant 48 : i32
    %multiple_of3A_642 = tpu.assume_multiple %multiple_of3A_641, 8 : i32
    %multiple_of3A_643 = arith.constant 896 : i32
    %multiple_of3A_644 = tpu.assume_multiple %multiple_of3A_643, 128 : i32
    %add3A_645 = arith.constant 30 : i32
    %add3A_646 = arith.addi %mul3A_2, %add3A_645 : i32
    %dma_wait3A_647 = arith.constant 0 : i32
    %dma_wait3A_648 = arith.constant 0 : i32
    %dma_wait3A_649 = arith.constant 0 : i32
    %dma_wait3A_650 = arith.constant 0 : i32
    %dma_wait3A_651 = tpu.memref_slice %arg7[%dma_wait3A_647, %dma_wait3A_649, %dma_wait3A_650] : memref<2x56x896xf32, #tpu.memory_space<vmem>> -> memref<1x48x896xf32, #tpu.memory_space<vmem>>
    %dma_wait3A_652 = tpu.memref_squeeze %dma_wait3A_651 : memref<1x48x896xf32, #tpu.memory_space<vmem>> -> memref<48x896xf32, #tpu.memory_space<vmem>>
    %dma_wait3A_653 = arith.constant 0 : i32
    %dma_wait3A_654 = arith.constant 0 : i32
    %dma_wait3A_655 = tpu.memref_slice %arg5[%add3A_646, %dma_wait3A_653, %dma_wait3A_654] : memref<1024x50x1000xf32, #tpu.memory_space<hbm>> -> memref<1x48x896xf32, #tpu.memory_space<hbm>>
    %dma_wait3A_656 = tpu.memref_squeeze %dma_wait3A_655 : memref<1x48x896xf32, #tpu.memory_space<hbm>> -> memref<48x896xf32, #tpu.memory_space<hbm>>
    %dma_wait3A_657 = tpu.memref_slice %arg12[%dma_wait3A_648] : memref<2x!tpu.dma_semaphore, #tpu.memory_space<semaphore_mem>> -> memref<1x!tpu.dma_semaphore, #tpu.memory_space<semaphore_mem>>
    %dma_wait3A_658 = tpu.memref_squeeze %dma_wait3A_657 : memref<1x!tpu.dma_semaphore, #tpu.memory_space<semaphore_mem>> -> memref<!tpu.dma_semaphore, #tpu.memory_space<semaphore_mem>>
    %dma_wait3A_659 = arith.constant 0 : i32
    %dma_wait3A_660 = arith.constant 0 : i32
    %dma_wait3A_661 = tpu.memref_slice %arg5[%add3A_646, %dma_wait3A_659, %dma_wait3A_660] : memref<1024x50x1000xf32, #tpu.memory_space<hbm>> -> memref<1x48x896xf32, #tpu.memory_space<hbm>>
    %dma_wait3A_662 = tpu.memref_squeeze %dma_wait3A_661 : memref<1x48x896xf32, #tpu.memory_space<hbm>> -> memref<48x896xf32, #tpu.memory_space<hbm>>
    %dma_wait3A_663 = arith.constant 0 : i32
    %dma_wait3A_664 = arith.constant 0 : i32
    %dma_wait3A_665 = tpu.memref_slice %arg7[%dma_wait3A_647, %dma_wait3A_663, %dma_wait3A_664] : memref<2x56x896xf32, #tpu.memory_space<vmem>> -> memref<1x48x896xf32, #tpu.memory_space<vmem>>
    %dma_wait3A_666 = tpu.memref_squeeze %dma_wait3A_665 : memref<1x48x896xf32, #tpu.memory_space<vmem>> -> memref<48x896xf32, #tpu.memory_space<vmem>>
    tpu.wait_dma2 semaphore(%dma_wait3A_658 : memref<!tpu.dma_semaphore, #tpu.memory_space<semaphore_mem>>) src(%dma_wait3A_666 : memref<48x896xf32, #tpu.memory_space<vmem>>) dst(%dma_wait3A_662 : memref<48x896xf32, #tpu.memory_space<hbm>>)
    %dma_wait3A_667 = arith.constant 0 : i32
    %dma_wait3A_668 = arith.constant 0 : i32
    %dma_wait3A_669 = arith.constant 48 : i32
    %dma_wait3A_670 = arith.constant 0 : i32
    %dma_wait3A_671 = tpu.memref_slice %arg7[%dma_wait3A_667, %dma_wait3A_669, %dma_wait3A_670] : memref<2x56x896xf32, #tpu.memory_space<vmem>> -> memref<1x8x896xf32, #tpu.memory_space<vmem>>
    %dma_wait3A_672 = tpu.memref_squeeze %dma_wait3A_671 : memref<1x8x896xf32, #tpu.memory_space<vmem>> -> memref<8x896xf32, #tpu.memory_space<vmem>>
    %dma_wait3A_673 = arith.constant 0 : i32
    %dma_wait3A_674 = tpu.memref_slice %arg5[%add3A_646, %multiple_of3A_642, %dma_wait3A_673] : memref<1024x50x1000xf32, #tpu.memory_space<hbm>> -> memref<1x8x896xf32, #tpu.memory_space<hbm>>
    %dma_wait3A_675 = tpu.memref_squeeze %dma_wait3A_674 : memref<1x8x896xf32, #tpu.memory_space<hbm>> -> memref<8x896xf32, #tpu.memory_space<hbm>>
    %dma_wait3A_676 = tpu.memref_slice %arg12[%dma_wait3A_668] : memref<2x!tpu.dma_semaphore, #tpu.memory_space<semaphore_mem>> -> memref<1x!tpu.dma_semaphore, #tpu.memory_space<semaphore_mem>>
    %dma_wait3A_677 = tpu.memref_squeeze %dma_wait3A_676 : memref<1x!tpu.dma_semaphore, #tpu.memory_space<semaphore_mem>> -> memref<!tpu.dma_semaphore, #tpu.memory_space<semaphore_mem>>
    %dma_wait3A_678 = arith.constant 0 : i32
    %dma_wait3A_679 = tpu.memref_slice %arg5[%add3A_646, %multiple_of3A_642, %dma_wait3A_678] : memref<1024x50x1000xf32, #tpu.memory_space<hbm>> -> memref<1x8x896xf32, #tpu.memory_space<hbm>>
    %dma_wait3A_680 = tpu.memref_squeeze %dma_wait3A_679 : memref<1x8x896xf32, #tpu.memory_space<hbm>> -> memref<8x896xf32, #tpu.memory_space<hbm>>
    %dma_wait3A_681 = arith.constant 48 : i32
    %dma_wait3A_682 = arith.constant 0 : i32
    %dma_wait3A_683 = tpu.memref_slice %arg7[%dma_wait3A_667, %dma_wait3A_681, %dma_wait3A_682] : memref<2x56x896xf32, #tpu.memory_space<vmem>> -> memref<1x8x896xf32, #tpu.memory_space<vmem>>
    %dma_wait3A_684 = tpu.memref_squeeze %dma_wait3A_683 : memref<1x8x896xf32, #tpu.memory_space<vmem>> -> memref<8x896xf32, #tpu.memory_space<vmem>>
    tpu.wait_dma2 semaphore(%dma_wait3A_677 : memref<!tpu.dma_semaphore, #tpu.memory_space<semaphore_mem>>) src(%dma_wait3A_684 : memref<8x896xf32, #tpu.memory_space<vmem>>) dst(%dma_wait3A_680 : memref<8x896xf32, #tpu.memory_space<hbm>>)
    %dma_wait3A_685 = arith.constant 0 : i32
    %dma_wait3A_686 = arith.constant 0 : i32
    %dma_wait3A_687 = arith.constant 0 : i32
    %dma_wait3A_688 = arith.constant 0 : i32
    %dma_wait3A_689 = tpu.memref_slice %arg8[%dma_wait3A_685, %dma_wait3A_687, %dma_wait3A_688] : memref<2x56x128xf32, #tpu.memory_space<vmem>> -> memref<1x48x128xf32, #tpu.memory_space<vmem>>
    %dma_wait3A_690 = tpu.memref_squeeze %dma_wait3A_689 : memref<1x48x128xf32, #tpu.memory_space<vmem>> -> memref<48x128xf32, #tpu.memory_space<vmem>>
    %dma_wait3A_691 = arith.constant 0 : i32
    %dma_wait3A_692 = tpu.memref_slice %arg5[%add3A_646, %dma_wait3A_691, %multiple_of3A_644] : memref<1024x50x1000xf32, #tpu.memory_space<hbm>> -> memref<1x48x128xf32, #tpu.memory_space<hbm>>
    %dma_wait3A_693 = tpu.memref_squeeze %dma_wait3A_692 : memref<1x48x128xf32, #tpu.memory_space<hbm>> -> memref<48x128xf32, #tpu.memory_space<hbm>>
    %dma_wait3A_694 = tpu.memref_slice %arg12[%dma_wait3A_686] : memref<2x!tpu.dma_semaphore, #tpu.memory_space<semaphore_mem>> -> memref<1x!tpu.dma_semaphore, #tpu.memory_space<semaphore_mem>>
    %dma_wait3A_695 = tpu.memref_squeeze %dma_wait3A_694 : memref<1x!tpu.dma_semaphore, #tpu.memory_space<semaphore_mem>> -> memref<!tpu.dma_semaphore, #tpu.memory_space<semaphore_mem>>
    %dma_wait3A_696 = arith.constant 0 : i32
    %dma_wait3A_697 = tpu.memref_slice %arg5[%add3A_646, %dma_wait3A_696, %multiple_of3A_644] : memref<1024x50x1000xf32, #tpu.memory_space<hbm>> -> memref<1x48x128xf32, #tpu.memory_space<hbm>>
    %dma_wait3A_698 = tpu.memref_squeeze %dma_wait3A_697 : memref<1x48x128xf32, #tpu.memory_space<hbm>> -> memref<48x128xf32, #tpu.memory_space<hbm>>
    %dma_wait3A_699 = arith.constant 0 : i32
    %dma_wait3A_700 = arith.constant 0 : i32
    %dma_wait3A_701 = tpu.memref_slice %arg8[%dma_wait3A_685, %dma_wait3A_699, %dma_wait3A_700] : memref<2x56x128xf32, #tpu.memory_space<vmem>> -> memref<1x48x128xf32, #tpu.memory_space<vmem>>
    %dma_wait3A_702 = tpu.memref_squeeze %dma_wait3A_701 : memref<1x48x128xf32, #tpu.memory_space<vmem>> -> memref<48x128xf32, #tpu.memory_space<vmem>>
    tpu.wait_dma2 semaphore(%dma_wait3A_695 : memref<!tpu.dma_semaphore, #tpu.memory_space<semaphore_mem>>) src(%dma_wait3A_702 : memref<48x128xf32, #tpu.memory_space<vmem>>) dst(%dma_wait3A_698 : memref<48x128xf32, #tpu.memory_space<hbm>>)
    %dma_wait3A_703 = arith.constant 0 : i32
    %dma_wait3A_704 = arith.constant 0 : i32
    %dma_wait3A_705 = arith.constant 48 : i32
    %dma_wait3A_706 = arith.constant 0 : i32
    %dma_wait3A_707 = tpu.memref_slice %arg8[%dma_wait3A_703, %dma_wait3A_705, %dma_wait3A_706] : memref<2x56x128xf32, #tpu.memory_space<vmem>> -> memref<1x8x128xf32, #tpu.memory_space<vmem>>
    %dma_wait3A_708 = tpu.memref_squeeze %dma_wait3A_707 : memref<1x8x128xf32, #tpu.memory_space<vmem>> -> memref<8x128xf32, #tpu.memory_space<vmem>>
    %dma_wait3A_709 = tpu.memref_slice %arg5[%add3A_646, %multiple_of3A_642, %multiple_of3A_644] : memref<1024x50x1000xf32, #tpu.memory_space<hbm>> -> memref<1x8x128xf32, #tpu.memory_space<hbm>>
    %dma_wait3A_710 = tpu.memref_squeeze %dma_wait3A_709 : memref<1x8x128xf32, #tpu.memory_space<hbm>> -> memref<8x128xf32, #tpu.memory_space<hbm>>
    %dma_wait3A_711 = tpu.memref_slice %arg12[%dma_wait3A_704] : memref<2x!tpu.dma_semaphore, #tpu.memory_space<semaphore_mem>> -> memref<1x!tpu.dma_semaphore, #tpu.memory_space<semaphore_mem>>
    %dma_wait3A_712 = tpu.memref_squeeze %dma_wait3A_711 : memref<1x!tpu.dma_semaphore, #tpu.memory_space<semaphore_mem>> -> memref<!tpu.dma_semaphore, #tpu.memory_space<semaphore_mem>>
    %dma_wait3A_713 = tpu.memref_slice %arg5[%add3A_646, %multiple_of3A_642, %multiple_of3A_644] : memref<1024x50x1000xf32, #tpu.memory_space<hbm>> -> memref<1x8x128xf32, #tpu.memory_space<hbm>>
    %dma_wait3A_714 = tpu.memref_squeeze %dma_wait3A_713 : memref<1x8x128xf32, #tpu.memory_space<hbm>> -> memref<8x128xf32, #tpu.memory_space<hbm>>
    %dma_wait3A_715 = arith.constant 48 : i32
    %dma_wait3A_716 = arith.constant 0 : i32
    %dma_wait3A_717 = tpu.memref_slice %arg8[%dma_wait3A_703, %dma_wait3A_715, %dma_wait3A_716] : memref<2x56x128xf32, #tpu.memory_space<vmem>> -> memref<1x8x128xf32, #tpu.memory_space<vmem>>
    %dma_wait3A_718 = tpu.memref_squeeze %dma_wait3A_717 : memref<1x8x128xf32, #tpu.memory_space<vmem>> -> memref<8x128xf32, #tpu.memory_space<vmem>>
    tpu.wait_dma2 semaphore(%dma_wait3A_712 : memref<!tpu.dma_semaphore, #tpu.memory_space<semaphore_mem>>) src(%dma_wait3A_718 : memref<8x128xf32, #tpu.memory_space<vmem>>) dst(%dma_wait3A_714 : memref<8x128xf32, #tpu.memory_space<hbm>>)
    %multiple_of3A_719 = arith.constant 48 : i32
    %multiple_of3A_720 = tpu.assume_multiple %multiple_of3A_719, 8 : i32
    %multiple_of3A_721 = arith.constant 896 : i32
    %multiple_of3A_722 = tpu.assume_multiple %multiple_of3A_721, 128 : i32
    %add3A_723 = arith.constant 31 : i32
    %add3A_724 = arith.addi %mul3A_2, %add3A_723 : i32
    %dma_wait3A_725 = arith.constant 1 : i32
    %dma_wait3A_726 = arith.constant 1 : i32
    %dma_wait3A_727 = arith.constant 0 : i32
    %dma_wait3A_728 = arith.constant 0 : i32
    %dma_wait3A_729 = tpu.memref_slice %arg7[%dma_wait3A_725, %dma_wait3A_727, %dma_wait3A_728] : memref<2x56x896xf32, #tpu.memory_space<vmem>> -> memref<1x48x896xf32, #tpu.memory_space<vmem>>
    %dma_wait3A_730 = tpu.memref_squeeze %dma_wait3A_729 : memref<1x48x896xf32, #tpu.memory_space<vmem>> -> memref<48x896xf32, #tpu.memory_space<vmem>>
    %dma_wait3A_731 = arith.constant 0 : i32
    %dma_wait3A_732 = arith.constant 0 : i32
    %dma_wait3A_733 = tpu.memref_slice %arg5[%add3A_724, %dma_wait3A_731, %dma_wait3A_732] : memref<1024x50x1000xf32, #tpu.memory_space<hbm>> -> memref<1x48x896xf32, #tpu.memory_space<hbm>>
    %dma_wait3A_734 = tpu.memref_squeeze %dma_wait3A_733 : memref<1x48x896xf32, #tpu.memory_space<hbm>> -> memref<48x896xf32, #tpu.memory_space<hbm>>
    %dma_wait3A_735 = tpu.memref_slice %arg12[%dma_wait3A_726] : memref<2x!tpu.dma_semaphore, #tpu.memory_space<semaphore_mem>> -> memref<1x!tpu.dma_semaphore, #tpu.memory_space<semaphore_mem>>
    %dma_wait3A_736 = tpu.memref_squeeze %dma_wait3A_735 : memref<1x!tpu.dma_semaphore, #tpu.memory_space<semaphore_mem>> -> memref<!tpu.dma_semaphore, #tpu.memory_space<semaphore_mem>>
    %dma_wait3A_737 = arith.constant 0 : i32
    %dma_wait3A_738 = arith.constant 0 : i32
    %dma_wait3A_739 = tpu.memref_slice %arg5[%add3A_724, %dma_wait3A_737, %dma_wait3A_738] : memref<1024x50x1000xf32, #tpu.memory_space<hbm>> -> memref<1x48x896xf32, #tpu.memory_space<hbm>>
    %dma_wait3A_740 = tpu.memref_squeeze %dma_wait3A_739 : memref<1x48x896xf32, #tpu.memory_space<hbm>> -> memref<48x896xf32, #tpu.memory_space<hbm>>
    %dma_wait3A_741 = arith.constant 0 : i32
    %dma_wait3A_742 = arith.constant 0 : i32
    %dma_wait3A_743 = tpu.memref_slice %arg7[%dma_wait3A_725, %dma_wait3A_741, %dma_wait3A_742] : memref<2x56x896xf32, #tpu.memory_space<vmem>> -> memref<1x48x896xf32, #tpu.memory_space<vmem>>
    %dma_wait3A_744 = tpu.memref_squeeze %dma_wait3A_743 : memref<1x48x896xf32, #tpu.memory_space<vmem>> -> memref<48x896xf32, #tpu.memory_space<vmem>>
    tpu.wait_dma2 semaphore(%dma_wait3A_736 : memref<!tpu.dma_semaphore, #tpu.memory_space<semaphore_mem>>) src(%dma_wait3A_744 : memref<48x896xf32, #tpu.memory_space<vmem>>) dst(%dma_wait3A_740 : memref<48x896xf32, #tpu.memory_space<hbm>>)
    %dma_wait3A_745 = arith.constant 1 : i32
    %dma_wait3A_746 = arith.constant 1 : i32
    %dma_wait3A_747 = arith.constant 48 : i32
    %dma_wait3A_748 = arith.constant 0 : i32
    %dma_wait3A_749 = tpu.memref_slice %arg7[%dma_wait3A_745, %dma_wait3A_747, %dma_wait3A_748] : memref<2x56x896xf32, #tpu.memory_space<vmem>> -> memref<1x8x896xf32, #tpu.memory_space<vmem>>
    %dma_wait3A_750 = tpu.memref_squeeze %dma_wait3A_749 : memref<1x8x896xf32, #tpu.memory_space<vmem>> -> memref<8x896xf32, #tpu.memory_space<vmem>>
    %dma_wait3A_751 = arith.constant 0 : i32
    %dma_wait3A_752 = tpu.memref_slice %arg5[%add3A_724, %multiple_of3A_720, %dma_wait3A_751] : memref<1024x50x1000xf32, #tpu.memory_space<hbm>> -> memref<1x8x896xf32, #tpu.memory_space<hbm>>
    %dma_wait3A_753 = tpu.memref_squeeze %dma_wait3A_752 : memref<1x8x896xf32, #tpu.memory_space<hbm>> -> memref<8x896xf32, #tpu.memory_space<hbm>>
    %dma_wait3A_754 = tpu.memref_slice %arg12[%dma_wait3A_746] : memref<2x!tpu.dma_semaphore, #tpu.memory_space<semaphore_mem>> -> memref<1x!tpu.dma_semaphore, #tpu.memory_space<semaphore_mem>>
    %dma_wait3A_755 = tpu.memref_squeeze %dma_wait3A_754 : memref<1x!tpu.dma_semaphore, #tpu.memory_space<semaphore_mem>> -> memref<!tpu.dma_semaphore, #tpu.memory_space<semaphore_mem>>
    %dma_wait3A_756 = arith.constant 0 : i32
    %dma_wait3A_757 = tpu.memref_slice %arg5[%add3A_724, %multiple_of3A_720, %dma_wait3A_756] : memref<1024x50x1000xf32, #tpu.memory_space<hbm>> -> memref<1x8x896xf32, #tpu.memory_space<hbm>>
    %dma_wait3A_758 = tpu.memref_squeeze %dma_wait3A_757 : memref<1x8x896xf32, #tpu.memory_space<hbm>> -> memref<8x896xf32, #tpu.memory_space<hbm>>
    %dma_wait3A_759 = arith.constant 48 : i32
    %dma_wait3A_760 = arith.constant 0 : i32
    %dma_wait3A_761 = tpu.memref_slice %arg7[%dma_wait3A_745, %dma_wait3A_759, %dma_wait3A_760] : memref<2x56x896xf32, #tpu.memory_space<vmem>> -> memref<1x8x896xf32, #tpu.memory_space<vmem>>
    %dma_wait3A_762 = tpu.memref_squeeze %dma_wait3A_761 : memref<1x8x896xf32, #tpu.memory_space<vmem>> -> memref<8x896xf32, #tpu.memory_space<vmem>>
    tpu.wait_dma2 semaphore(%dma_wait3A_755 : memref<!tpu.dma_semaphore, #tpu.memory_space<semaphore_mem>>) src(%dma_wait3A_762 : memref<8x896xf32, #tpu.memory_space<vmem>>) dst(%dma_wait3A_758 : memref<8x896xf32, #tpu.memory_space<hbm>>)
    %dma_wait3A_763 = arith.constant 1 : i32
    %dma_wait3A_764 = arith.constant 1 : i32
    %dma_wait3A_765 = arith.constant 0 : i32
    %dma_wait3A_766 = arith.constant 0 : i32
    %dma_wait3A_767 = tpu.memref_slice %arg8[%dma_wait3A_763, %dma_wait3A_765, %dma_wait3A_766] : memref<2x56x128xf32, #tpu.memory_space<vmem>> -> memref<1x48x128xf32, #tpu.memory_space<vmem>>
    %dma_wait3A_768 = tpu.memref_squeeze %dma_wait3A_767 : memref<1x48x128xf32, #tpu.memory_space<vmem>> -> memref<48x128xf32, #tpu.memory_space<vmem>>
    %dma_wait3A_769 = arith.constant 0 : i32
    %dma_wait3A_770 = tpu.memref_slice %arg5[%add3A_724, %dma_wait3A_769, %multiple_of3A_722] : memref<1024x50x1000xf32, #tpu.memory_space<hbm>> -> memref<1x48x128xf32, #tpu.memory_space<hbm>>
    %dma_wait3A_771 = tpu.memref_squeeze %dma_wait3A_770 : memref<1x48x128xf32, #tpu.memory_space<hbm>> -> memref<48x128xf32, #tpu.memory_space<hbm>>
    %dma_wait3A_772 = tpu.memref_slice %arg12[%dma_wait3A_764] : memref<2x!tpu.dma_semaphore, #tpu.memory_space<semaphore_mem>> -> memref<1x!tpu.dma_semaphore, #tpu.memory_space<semaphore_mem>>
    %dma_wait3A_773 = tpu.memref_squeeze %dma_wait3A_772 : memref<1x!tpu.dma_semaphore, #tpu.memory_space<semaphore_mem>> -> memref<!tpu.dma_semaphore, #tpu.memory_space<semaphore_mem>>
    %dma_wait3A_774 = arith.constant 0 : i32
    %dma_wait3A_775 = tpu.memref_slice %arg5[%add3A_724, %dma_wait3A_774, %multiple_of3A_722] : memref<1024x50x1000xf32, #tpu.memory_space<hbm>> -> memref<1x48x128xf32, #tpu.memory_space<hbm>>
    %dma_wait3A_776 = tpu.memref_squeeze %dma_wait3A_775 : memref<1x48x128xf32, #tpu.memory_space<hbm>> -> memref<48x128xf32, #tpu.memory_space<hbm>>
    %dma_wait3A_777 = arith.constant 0 : i32
    %dma_wait3A_778 = arith.constant 0 : i32
    %dma_wait3A_779 = tpu.memref_slice %arg8[%dma_wait3A_763, %dma_wait3A_777, %dma_wait3A_778] : memref<2x56x128xf32, #tpu.memory_space<vmem>> -> memref<1x48x128xf32, #tpu.memory_space<vmem>>
    %dma_wait3A_780 = tpu.memref_squeeze %dma_wait3A_779 : memref<1x48x128xf32, #tpu.memory_space<vmem>> -> memref<48x128xf32, #tpu.memory_space<vmem>>
    tpu.wait_dma2 semaphore(%dma_wait3A_773 : memref<!tpu.dma_semaphore, #tpu.memory_space<semaphore_mem>>) src(%dma_wait3A_780 : memref<48x128xf32, #tpu.memory_space<vmem>>) dst(%dma_wait3A_776 : memref<48x128xf32, #tpu.memory_space<hbm>>)
    %dma_wait3A_781 = arith.constant 1 : i32
    %dma_wait3A_782 = arith.constant 1 : i32
    %dma_wait3A_783 = arith.constant 48 : i32
    %dma_wait3A_784 = arith.constant 0 : i32
    %dma_wait3A_785 = tpu.memref_slice %arg8[%dma_wait3A_781, %dma_wait3A_783, %dma_wait3A_784] : memref<2x56x128xf32, #tpu.memory_space<vmem>> -> memref<1x8x128xf32, #tpu.memory_space<vmem>>
    %dma_wait3A_786 = tpu.memref_squeeze %dma_wait3A_785 : memref<1x8x128xf32, #tpu.memory_space<vmem>> -> memref<8x128xf32, #tpu.memory_space<vmem>>
    %dma_wait3A_787 = tpu.memref_slice %arg5[%add3A_724, %multiple_of3A_720, %multiple_of3A_722] : memref<1024x50x1000xf32, #tpu.memory_space<hbm>> -> memref<1x8x128xf32, #tpu.memory_space<hbm>>
    %dma_wait3A_788 = tpu.memref_squeeze %dma_wait3A_787 : memref<1x8x128xf32, #tpu.memory_space<hbm>> -> memref<8x128xf32, #tpu.memory_space<hbm>>
    %dma_wait3A_789 = tpu.memref_slice %arg12[%dma_wait3A_782] : memref<2x!tpu.dma_semaphore, #tpu.memory_space<semaphore_mem>> -> memref<1x!tpu.dma_semaphore, #tpu.memory_space<semaphore_mem>>
    %dma_wait3A_790 = tpu.memref_squeeze %dma_wait3A_789 : memref<1x!tpu.dma_semaphore, #tpu.memory_space<semaphore_mem>> -> memref<!tpu.dma_semaphore, #tpu.memory_space<semaphore_mem>>
    %dma_wait3A_791 = tpu.memref_slice %arg5[%add3A_724, %multiple_of3A_720, %multiple_of3A_722] : memref<1024x50x1000xf32, #tpu.memory_space<hbm>> -> memref<1x8x128xf32, #tpu.memory_space<hbm>>
    %dma_wait3A_792 = tpu.memref_squeeze %dma_wait3A_791 : memref<1x8x128xf32, #tpu.memory_space<hbm>> -> memref<8x128xf32, #tpu.memory_space<hbm>>
    %dma_wait3A_793 = arith.constant 48 : i32
    %dma_wait3A_794 = arith.constant 0 : i32
    %dma_wait3A_795 = tpu.memref_slice %arg8[%dma_wait3A_781, %dma_wait3A_793, %dma_wait3A_794] : memref<2x56x128xf32, #tpu.memory_space<vmem>> -> memref<1x8x128xf32, #tpu.memory_space<vmem>>
    %dma_wait3A_796 = tpu.memref_squeeze %dma_wait3A_795 : memref<1x8x128xf32, #tpu.memory_space<vmem>> -> memref<8x128xf32, #tpu.memory_space<vmem>>
    tpu.wait_dma2 semaphore(%dma_wait3A_790 : memref<!tpu.dma_semaphore, #tpu.memory_space<semaphore_mem>>) src(%dma_wait3A_796 : memref<8x128xf32, #tpu.memory_space<vmem>>) dst(%dma_wait3A_792 : memref<8x128xf32, #tpu.memory_space<hbm>>)
    return
  }
}

</mosaic_0001>

<sc_bundles>
// kernel: kernel.3.cloned.1.call-start
scs
__scs_entry_jumppad:
0x0: {  	(pc) =	sbr.rel $0x88, $3  }
0x1: {  	(tag) =	ssettag $0x0;
	lr =	simm.s32 $0x1  }
0x2: {  	[smem:$0x3F9F] =	sst lr;
	_ =	strace $0xD0000000  }
0x3: {  	_ = 	snop  }
0x4: {  	_ = 	snop  }
0x5: {  	_ = 	snop  }
0x6: {  	_ = 	snop  }
0x7: {  	_ = 	snop  }
__scs_overlays_trampoline_lowered:
0x8: {  	[smem:$0x3FAE] =	sst s0  }
0x9: {  	[smem:$0x3FAF] =	sst s1  }
0xa: {  	[smem:$0x3FB0] =	sst s2  }
0xb: {  	[smem:$0x3FB1] =	sst s3  }
0xc: {  	[smem:$0x3FB2] =	sst s4  }
0xd: {  	[smem:$0x3FB3] =	sst s5  }
0xe: {  	[smem:$0x3FB4] =	sst s6  }
0xf: {  	[smem:$0x3FB5] =	sst s7  }
0x10: {  	[smem:$0x3FB6] =	sst s8  }
0x11: {  	[smem:$0x3FB7] =	sst s9;
	s0 =	simm.s32 @!p0 $0x0  }
0x12: {  	s1 =	sld [smem:$0x3F9D];
	s0 =	simm.s32 @p0 $0x1  }
0x13: {  	[smem:$0x3FB8] =	sst s0;
	s0 =	simm.s32 @!p1 $0x0  }
0x14: {  	s2 =	sld [smem:$0x3F9C];
	s0 =	simm.s32 @p1 $0x1  }
0x15: {  	[smem:$0x3FB9] =	sst s0;
	s0 =	simm.s32 @!p2 $0x0  }
0x16: {  	s3 =	sld [smem:$0x3FDB];
	s0 =	simm.s32 @p2 $0x1  }
0x17: {  	s4 =	simm.s32 $0x1BF5;
	[smem:$0x3FBB] =	sst s0  }
0x18: {  	s0 =	sld [smem:$0x3F9E];
	_ =	swait.ge [sflag:s4], $0x0  }
0x19: {  	s7 =	sld [smem:$0x3F9F]  }
0x1a: {  	s8 =	sadd.s32 $0xFFFFE003, lr  }
0x1b: {  	s9 =	sadd.s32 $0xFFFFFEF7, lr;
	s5 =	simm.s32 $0xFFFFFFFF;
	p2 =	slt.u32 s8, $0xFFFFF086  }
0x1c: {  	p1 =	slt.u32 s9, $0xF7A;
	s5 =	simm.s32 @!p2 $0x0  }
0x1d: {  	s5 =	simm.s32 @p1 $0x1;
	p0 =	seq.s32 s7, s2  }
0x1e: {  	s7 =	smul.u32 @!p0 $0xF7A, s2;
	p2 =	seq.s32 @!p0 s5, $0x0  }
0x1f: {  	s9 =	smul.u32 $0xF7A, s1;
	s8 =	simm.s32 @!p0 $0x1BF5;
	p2 =	por !p2, p0  }
0x20: {  	[sflag:s8] =	ssyncset.s32 @!p0 $0xFFFFF086;
	s6 =	sadd.s32 @!p0 s3, s7;
	s7 =	simm.s32 @!p0 $0x108  }
0x21: {  	s3 =	sadd.s32 s3, s9;
	s6 =	sadd.s32 @!p0 $0x88, s6;
	s7 =	simm.s32 @p2 $0x1082  }
0x22: {  	[simem:s7], [sflag:s8] =	dma.local @!p0 [hbm:s6], $0xF7A  }
0x23: {  	s9 =	sor.u32 $0xD0000000, s2;
	s6 =	simm.s32 $0x108;
	_ =	swait.ge @!p0 [sflag:s8], $0x0  }
0x24: {  	s3 =	sadd.s32 $0x88, s3;
	s6 =	simm.s32 @!p1 $0x1082;
	[sflag:s4] =	ssyncset.s32 $0xFFFFF086  }
0x25: {  	[simem:s6], [sflag:s4] =	dma.local [hbm:s3], $0xF7A  }
0x26: {  	[smem:$0x3F9F] =	sst s1;
	(tag) =	ssettag s2;
	_ =	strace s9  }
0x27: {  	s1 =	sld [smem:$0x3FAF]  }
0x28: {  	s2 =	sld [smem:$0x3FB0]  }
0x29: {  	s4 =	sld [smem:$0x3FB2]  }
0x2a: {  	p0 =	seq.s32 s5, $0x0;
	s5 =	sld [smem:$0x3FB3]  }
0x2b: {  	s6 =	sld [smem:$0x3FB4]  }
0x2c: {  	s7 =	sld [smem:$0x3FB5]  }
0x2d: {  	s3 =	simm.s32 $0x108;
	s8 =	sld [smem:$0x3FB6]  }
0x2e: {  	s3 =	simm.s32 @!p0 $0x1082;
	s9 =	sld [smem:$0x3FB7]  }
0x2f: {  	lr =	sadd.s32 s0, s3;
	s0 =	sld [smem:$0x3FAE]  }
0x30: {  	s3 =	sld [smem:$0x3FB1]  }
0x31: {  	[smem:$0x3FBA] =	sst s10  }
0x32: {  	s10 =	sld [smem:$0x3FB8];
	_ =	sdelay $0x3  }
0x33: {  	p0 =	seq.s32 s10, $0x1;
	s10 =	sld [smem:$0x3FBA];
	_ =	sdelay $0x3  }
0x34: {  	[smem:$0x3FBA] =	sst s10  }
0x35: {  	s10 =	sld [smem:$0x3FB9];
	_ =	sdelay $0x3  }
0x36: {  	p1 =	seq.s32 s10, $0x1;
	s10 =	sld [smem:$0x3FBA];
	_ =	sdelay $0x3  }
0x37: {  	[smem:$0x3FBA] =	sst s10  }
0x38: {  	s10 =	sld [smem:$0x3FBB]  }
0x39: {  	_ = 	snop;
	(pc) =	sbr.ind lr, $3  }
0x3a: {  	_ = 	snop  }
0x3b: {  	_ = 	snop  }
0x3c: {  	p2 =	seq.s32 s10, $0x1;
	s10 =	sld [smem:$0x3FBA]  }
0x3d: {  	_ =	shalt  }
0x3e: {  	_ =	shalt  }
0x3f: {  	_ =	shalt  }
0x40: {  	_ =	shalt  }
0x41: {  	_ =	shalt  }
0x42: {  	_ =	shalt  }
0x43: {  	_ =	shalt  }
0x44: {  	_ =	shalt  }
0x45: {  	_ =	shalt  }
0x46: {  	_ =	shalt  }
0x47: {  	_ =	shalt  }
0x48: {  	_ =	shalt  }
0x49: {  	_ =	shalt  }
0x4a: {  	_ =	shalt  }
0x4b: {  	_ =	shalt  }
0x4c: {  	_ =	shalt  }
0x4d: {  	_ =	shalt  }
0x4e: {  	_ =	shalt  }
0x4f: {  	_ =	shalt  }
0x50: {  	_ =	shalt  }
0x51: {  	_ =	shalt  }
0x52: {  	_ =	shalt  }
0x53: {  	_ =	shalt  }
0x54: {  	_ =	shalt  }
0x55: {  	_ =	shalt  }
0x56: {  	_ =	shalt  }
0x57: {  	_ =	shalt  }
0x58: {  	_ =	shalt  }
0x59: {  	_ =	shalt  }
0x5a: {  	_ =	shalt  }
0x5b: {  	_ =	shalt  }
0x5c: {  	_ =	shalt  }
0x5d: {  	_ =	shalt  }
0x5e: {  	_ =	shalt  }
0x5f: {  	_ =	shalt  }
0x60: {  	_ =	shalt  }
0x61: {  	_ =	shalt  }
0x62: {  	_ =	shalt  }
0x63: {  	_ =	shalt  }
0x64: {  	_ =	shalt  }
0x65: {  	_ =	shalt  }
0x66: {  	_ =	shalt  }
0x67: {  	_ =	shalt  }
0x68: {  	_ =	shalt  }
0x69: {  	_ =	shalt  }
0x6a: {  	_ =	shalt  }
0x6b: {  	_ =	shalt  }
0x6c: {  	_ =	shalt  }
0x6d: {  	_ =	shalt  }
0x6e: {  	_ =	shalt  }
0x6f: {  	_ =	shalt  }
0x70: {  	_ =	shalt  }
0x71: {  	_ =	shalt  }
0x72: {  	_ =	shalt  }
0x73: {  	_ =	shalt  }
0x74: {  	_ =	shalt  }
0x75: {  	_ =	shalt  }
0x76: {  	_ =	shalt  }
0x77: {  	_ =	shalt  }
0x78: {  	_ =	shalt  }
0x79: {  	_ =	shalt  }
0x7a: {  	_ =	shalt  }
0x7b: {  	_ =	shalt  }
0x7c: {  	_ =	shalt  }
0x7d: {  	_ =	shalt  }
0x7e: {  	_ =	shalt  }
0x7f: {  	_ =	shalt  }
0x80: {  	_ =	shalt  }
0x81: {  	_ =	shalt  }
0x82: {  	_ =	shalt  }
0x83: {  	_ =	shalt  }
0x84: {  	_ =	shalt  }
0x85: {  	_ =	shalt  }
0x86: {  	_ =	shalt  }
0x87: {  	_ =	shalt  }
.Lfunc_end0:
.L_simem_size_0:
called_computation_lowered:
.L_overlay_start_0:
0x88: {  	s2 =	sld [smem:$0x3FD9]  }
0x89: {  	s3 =	sld [smem:$0x3FFE];
	_ =	sdelay $0x1  }
0x8a: {  	s1 =	srdreg.scid  }
0x8b: {  	s0 =	sand.u32 $0x1, s1  }
0x8c: {  	s17 =	sshll.u32 s0, $0xA;
	s2 =	sadd.s32 s3, s2  }
0x8d: {  	s2 =	sadd.s32 s2, s17  }
0x8e: {  	[smem:$0x3FC6] =	sst s2  }
0x8f: {  	_ = 	snop  }
0x90: {  	s2 =	sld [smem:$0x3FD0];
	(tm) =	ssettm $0x1  }
0x91: {  	s18 =	sld [smem:$0x3FFB];
	_ =	sdelay $0x3  }
0x92: {  	_ =	strace s18  }
0x93: {  	s3 =	sld [smem:$0x3FFC];
	_ =	sdelay $0x3  }
0x94: {  	_ =	strace s3  }
0x95: {  	s3 =	sld [smem:$0x3FFD];
	_ =	sdelay $0x3  }
0x96: {  	_ =	strace s3  }
0x97: {  	_ =	strace $0x8FFFFFFF  }
0x98: {  	s19 =	sld [smem:$0x3FDB];
	_ =	sdelay $0x1  }
0x99: {  	s4 =	simm.s32 $_scs_section_size  }
0x9a: {  	s5 =	simm.s32 $_size__tile_overlayer_lowered;
	s6 =	simm.s32 $_tile_overlayer_lowered  }
0x9b: {  	s22 =	simm.s32 $0x1BFF;
	s21 =	sshll.u32 s6, $0x1;
	s3 =	sadd.s32 s4, s19  }
0x9c: {  	s7 =	simm.s32 $0x0;
	s20 =	sshll.u32 s5, $0x1;
	s5 =	sadd.s32 s21, s3  }
0x9d: {  	[timem:s7], [sflag:s22] =	dma.local [hbm:s5], s20  }
0x9e: {  	_ =	swait.ge [sflag:s22], s20  }
0x9f: {  	s4 =	ssub.s32 $0x0, s20;
	[sflag:s22] =	ssyncset.done $0x0  }
0xa0: {  	[sflag:s22] =	ssyncadd.s32 s4;
	_ =	sdelay $0x1  }
0xa1: {  	s23 =	simm.s32 $0x1B8B  }
0xa2: {  	_ =	swait.ge [sflag:s23], $0x1  }
0xa3: {  	[sflag:s23] =	ssyncset.done $0x0  }
0xa4: {  	s25 =	simm.s32 $0x1B8E;
	s24 =	sld [smem:$0x3FFE];
	[sflag:s23] =	ssyncadd.s32 $0xFFFFFFFF  }
0xa5: {  	s26 =	simm.s32 $execute0_lowered;
	[smem:$0x3FD2] =	sst s25  }
0xa6: {  	s5 =	sshll.u32 s26, $0x1;
	_ =	strace $0x80000046;
	[dreg:$0x1] =	wrdreg $0xFFFFFFFF  }
0xa7: {  	s28 =	simm.s32 $_size_execute0_lowered;
	s3 =	sadd.s32 s3, s5;
	[dreg:$0x0] =	wrdreg $0x0  }
0xa8: {  	s5 =	sshll.u32 s28, $0x1;
	[dreg:$0x2] =	wrdreg s3  }
0xa9: {  	[dreg:$0x3] =	wrdreg s5  }
0xaa: {  	[dreg:$0x4] =	wrdreg $0xC0  }
0xab: {  	_ =	task [dreg:s7], $0x5FFFF  }
0xac: {  	[dreg:$0x1] =	wrdreg $0xFFFFFFFF  }
0xad: {  	[dreg:$0x0] =	wrdreg $0x60  }
0xae: {  	[dreg:$0x2] =	wrdreg s24  }
0xaf: {  	[dreg:$0x3] =	wrdreg s2  }
0xb0: {  	[dreg:$0x4] =	wrdreg $0x9  }
0xb1: {  	_ =	task.clear_ibuf [dreg:s7], $0x5FFFF;
	_ =	strace $0x90000046  }
0xb2: {  	s29 =	simm.s32 $0x9;
	_ =	strace $0x80000048  }
0xb3: {  	_ =	swait.ge [sflag:s29], $0x1  }
0xb4: {  	[sflag:s29] =	ssyncadd.s32 $0xFFFFFFFF  }
0xb5: {  	_ =	strace $0x90000048  }
0xb6: {  	_ =	sfence  }
0xb7: {  	s30 =	sld [smem:$0x0];
	_ =	sdelay $0x2  }
0xb8: {  	s31 =	sshll.u32 s1, $0xD;
	s1 =	sshrl.u32 s1, $0x2  }
0xb9: {  	s3 =	sand.u32 $0x4000, s31;
	s1 =	sadd.s32 s1, s30  }
0xba: {  	s0 =	sor.u32 s3, s0;
	s1 =	sshll.u32 s1, $0x11  }
0xbb: {  	s0 =	sor.u32 s1, s0  }
0xbc: {  	s0 =	sadd.s32 $0x8F2B, s0  }
0xbd: {  	[sflag:s0] =	ssyncadd.remote.s32 $0x1  }
0xbe: {  	_ =	sfence.sel $0xFFFF  }
0xbf: {  	[dreg:$0x0] =	wrdreg $0xFFFFFFFF;
	(pc) =	sbr.abs _section_cstart, $3  }
0xc0: {  	[dreg:$0x1] =	wrdreg $0xFFFFFFFF  }
0xc1: {  	_ =	task.clear_ibuf [dreg:s7], $0x2FFFF;
	_ =	strace $0x9FFFFFFF  }
0xc2: {  	(tm) =	ssettm $0x7FFFFFFF  }
0xc3: {  	_ =	shalt  }
tec
execute0_lowered:
.L_overlay_start_1:
0x0: {  	(tag) =	ssettag $0x1  }
0x1: {  	s0 =	rddreg [dreg:$0x0]  }
0x2: {  	s1 =	rddreg [dreg:$0x1]  }
0x3: {  	s3 =	simm.s32 $0x0;
	s2 =	srdreg.scid;
	s13 =	stileid.u32  }
0x4: {  	s31 =	simm.s32 $0x38;
	s30 =	simm.s32 $0x3;
	s28 =	simm.s32 $0x13D00  }
0x5: {  	s29 =	simm.s32 $0x16100;
	[smem:$0x7FF] =	sst s3;
	s2 =	sand.u32 $0x1, s2  }
0x6: {  	s5 =	sadd.s32 $0x4400, s0;
	s6 =	sshll.u32 s13, $0x6;
	s4 =	sadd.s32 $0x400, s0  }
0x7: {  	s0 =	sadd.s32 $0x8400, s0;
	s11 =	smul.u32 $0x380000, s13;
	s7 =	sshll.u32 s2, $0x5  }
0x8: {  	s10 =	sadd.s32 $0x300, s1;
	s18 =	smul.u32 $0x70000, s13;
	s6 =	sor.u32 s7, s6  }
0x9: {  	_ =	strace $0x80000047;
	s23 =	smul.u32 $0x1C0000, s2;
	s9 =	sshll.u32 s6, $0x4  }
0xa: {  	s8 =	ssub.s32 $0x2, s2;
	s6 =	smul.u32 $0xE000, s6;
	s12 =	sadd.s32 s5, s9  }
0xb: {  	s21 =	sshrl.u32 s8, $0x1;
	s22 =	sadd.s32 $0x10, s12;
	[dreg:$0x6] =	wrdreg s12  }
0xc: {  	s6 =	sshrl.u32 s6, $0x3;
	s26 =	sadd.s32 $0x20, s12;
	[dreg:$0x7] =	wrdreg s22  }
0xd: {  	s8 =	ssub.s32 s8, s21;
	s14 =	sadd.s32 s0, s6;
	[dreg:$0xc] =	wrdreg s26  }
0xe: {  	s19 =	smul.u32 $0x38000, s2;
	s26 =	smax.u32 s8, $0x1;
	[dreg:$0x8] =	wrdreg s14  }
0xf: {  	s2 =	sshll.u32 s2, $0x9;
	s15 =	sadd.s32 $0x1800, s14;
	[dreg:$0x15] =	wrdreg s26  }
0x10: {  	s7 =	sadd.s32 $0x100, s1;
	s24 =	sadd.s32 $0x380, s14;
	[dreg:$0x9] =	wrdreg s15  }
0x11: {  	s9 =	sadd.s32 $0x200, s1;
	s25 =	sadd.s32 $0x1B80, s14;
	[dreg:$0xa] =	wrdreg s24  }
0x12: {  	s6 =	sadd.s32 s23, s11;
	s12 =	sadd.s32 $0x34800, s14;
	[dreg:$0xb] =	wrdreg s25  }
0x13: {  	s23 =	sshll.u32 s13, $0xA;
	s16 =	sadd.s32 $0x36000, s14;
	[dreg:$0xd] =	wrdreg s12  }
0x14: {  	s13 =	simm.s32 $0xC500;
	s17 =	sadd.s32 $0x34B80, s14;
	[dreg:$0xe] =	wrdreg s16  }
0x15: {  	s8 =	simm.s32 $0x2;
	s20 =	sadd.s32 $0x36380, s14;
	[dreg:$0xf] =	wrdreg s17  }
0x16: {  	s21 =	sadd.s32 $0x36400, s14;
	s22 =	sadd.s32 $0x37C00, s14;
	[dreg:$0x10] =	wrdreg s20  }
0x17: {  	s26 =	simm.s32 $0x0;
	s15 =	sor.u32 $0x1BC00, s6;
	[dreg:$0x11] =	wrdreg s21  }
0x18: {  	s6 =	sor.u32 $0x1A000, s6;
	[dreg:$0x12] =	wrdreg s22;
	s24 =	sadd.s32 $0x36780, s14  }
0x19: {  	s25 =	sadd.s32 $0x37F80, s14;
	s16 =	simm.s32 $0x18900;
	s20 =	simm.s32 $0x5  }
0x1a: {  	s12 =	simm.s32 $0x400;
	s14 =	simm.s32 $0x14500;
	s21 =	simm.s32 $0x15900  }
0x1b: {  	s22 =	simm.s32 $0x16900;
	s17 =	simm.s32 $0x17D00;
	[dreg:$0x13] =	wrdreg s24  }
0x1c: {  	s11 =	sshrl.u32 s15, $0x3;
	s6 =	sshrl.u32 s6, $0x3;
	[dreg:$0x14] =	wrdreg s25  }
0x1d: {  	s15 =	simm.s32 $0xA900;
	s24 =	simm.s32 $0x18500;
	s11 =	sadd.s32 s11, s0  }
0x1e: {  	s6 =	sadd.s32 s6, s0;
	s0 =	sadd.s32 s18, s0;
	[dreg:$0x5] =	wrdreg s11  }
0x1f: {  	s25 =	simm.s32 $0x1A500;
	[dreg:$0x4] =	wrdreg s6;
	s0 =	sadd.s32 s19, s0  }
0x20: {  	s18 =	simm.s32 $0x14D00;
	[dreg:$0x3] =	wrdreg s0;
	s0 =	sadd.s32 s23, s5  }
0x21: {  	v2 =	vlaneseq.u32;
	s6 =	simm.s32 $0x1C00;
	s11 =	simm.s32 $0x2000;
	s0 =	sadd.s32 s2, s0  }
0x22: {  	vm0 =	vmmov $0xffff;
	vm1 =	vmmov $0xff;
	v1 =	vshrl.u32 v2, $0x3;
	s19 =	simm.s32 $0x8;
	s5 =	simm.s32 $0x15100;
	s0 =	sadd.s32 $0x30, s0  }
0x23: {  	v0 =	vand.u32 $0x7, v2;
	v2 =	vor.u32 $0x8, v2;
	v1 =	vmul.u32 $0x8, v1;
	s23 =	simm.s32 $0x17500;
	s2 =	simm.s32 $0x16D00;
	[dreg:$0x16] =	wrdreg s0  }
.LBB2_1:
0x24: {  	[dreg:$0x17] =	wrdreg s26  }
0x25: {  	s0 =	rddreg [dreg:$0x6]  }
0x26: {  	[tilespmem:s3], [sflag:$0x1] =	stream.linear.gather [hbm4b:s0+s3], $0x80, $0x38;
	[tilespmem:$0x1C100] =	vst v63  }
0x27: {  	s26 =	simm.s32 $0x80;
	s0 =	rddreg [dreg:$0x7]  }
0x28: {  	[tilespmem:s26], [sflag:$0x2] =	stream.linear.gather [hbm4b:s0+s3], $0x80, $0x38;
	[tilespmem:$0x1C100] =	vst v63  }
0x29: {  	s26 =	simm.s32 $0x1  }
0x2a: {  	_ =	swait.ge [sflag:s26], $0x80  }
0x2b: {  	[sflag:s26] =	ssyncset.done $0x0  }
0x2c: {  	[sflag:s26] =	ssyncadd.s32 $0xFFFFFF80  }
0x2d: {  	v3 =	vld [tilespmem:$0x0];
	_ =	sdelay $0x4  }
0x2e: {  	v4 =	vshrl.u32 v3, $0x3  }
0x2f: {  	v4 =	vmul.u32 $0x38, v4  }
0x30: {  	v3 =	vand.u32 $0x7, v3  }
0x31: {  	v3 =	vor.u32 v3, v4  }
0x32: {  	v4 =	vperm.xlane v3, v0;
	_ =	sdelay $0x1  }
0x33: {  	v4 =	vadd.s32 v1, v4;
	_ =	sdelay $0x3  }
0x34: {  	s26 =	simm.s32 $0x100  }
0x35: {  	[tilespmem:s26], [sflag:$0x3] =	stream.indirect_vreg.gather [hbm4b:s1+s3], $0x80, v4, vm0, $0xb8;
	[tilespmem:$0x1C100] =	vst v63  }
0x36: {  	s0 =	simm.s32 $0x900;
	v3 =	vperm.xlane v3, v2  }
0x37: {  	[tilespmem:s0], [sflag:$0x3] =	stream.indirect_vreg.gather [hbm4b:s7+s3], $0x80, v4, vm0, $0xb8;
	[tilespmem:$0x1C100] =	vst v63  }
0x38: {  	v3 =	vadd.s32 v1, v3;
	s0 =	simm.s32 $0x1100  }
0x39: {  	[tilespmem:s0], [sflag:$0x3] =	stream.indirect_vreg.gather [hbm4b:s9+s3], $0x80, v4, vm0, $0xb8;
	[tilespmem:$0x1C100] =	vst v63  }
0x3a: {  	s0 =	simm.s32 $0x1900  }
0x3b: {  	[tilespmem:s0], [sflag:$0x3] =	stream.indirect_vreg.gather [hbm4b:s10+s3], $0x80, v4, vm1, $0xb8;
	[tilespmem:$0x1C100] =	vst v63  }
0x3c: {  	s0 =	simm.s32 $0x1D00  }
0x3d: {  	[tilespmem:s0], [sflag:$0x3] =	stream.indirect_vreg.gather [hbm4b:s1+s3], $0x80, v3, vm0, $0xb8;
	[tilespmem:$0x1C100] =	vst v63  }
0x3e: {  	s0 =	simm.s32 $0x2500  }
0x3f: {  	[tilespmem:s0], [sflag:$0x3] =	stream.indirect_vreg.gather [hbm4b:s7+s3], $0x80, v3, vm0, $0xb8;
	[tilespmem:$0x1C100] =	vst v63  }
0x40: {  	s0 =	simm.s32 $0x2D00  }
0x41: {  	[tilespmem:s0], [sflag:$0x3] =	stream.indirect_vreg.gather [hbm4b:s9+s3], $0x80, v3, vm0, $0xb8;
	[tilespmem:$0x1C100] =	vst v63  }
0x42: {  	s0 =	simm.s32 $0x3500  }
0x43: {  	[tilespmem:s0], [sflag:$0x3] =	stream.indirect_vreg.gather [hbm4b:s10+s3], $0x80, v3, vm1, $0xb8;
	[tilespmem:$0x1C100] =	vst v63  }
0x44: {  	v3 =	vld [tilespmem:$0x10];
	_ =	sdelay $0x4  }
0x45: {  	v57 =	vshrl.u32 v3, $0x3  }
0x46: {  	v4 =	vmul.u32 $0x38, v57  }
0x47: {  	v3 =	vand.u32 $0x7, v3  }
0x48: {  	v3 =	vor.u32 v3, v4  }
0x49: {  	v4 =	vperm.xlane v3, v0;
	_ =	sdelay $0x1  }
0x4a: {  	v4 =	vadd.s32 v1, v4;
	_ =	sdelay $0x3  }
0x4b: {  	s0 =	simm.s32 $0x3900  }
0x4c: {  	[tilespmem:s0], [sflag:$0x3] =	stream.indirect_vreg.gather [hbm4b:s1+s3], $0x80, v4, vm0, $0xb8;
	[tilespmem:$0x1C100] =	vst v63  }
0x4d: {  	v3 =	vperm.xlane v3, v2;
	s0 =	simm.s32 $0x4100  }
0x4e: {  	[tilespmem:s0], [sflag:$0x3] =	stream.indirect_vreg.gather [hbm4b:s7+s3], $0x80, v4, vm0, $0xb8;
	[tilespmem:$0x1C100] =	vst v63  }
0x4f: {  	v3 =	vadd.s32 v1, v3;
	s0 =	simm.s32 $0x4900  }
0x50: {  	[tilespmem:s0], [sflag:$0x3] =	stream.indirect_vreg.gather [hbm4b:s9+s3], $0x80, v4, vm0, $0xb8;
	[tilespmem:$0x1C100] =	vst v63  }
0x51: {  	s0 =	simm.s32 $0x5100  }
0x52: {  	[tilespmem:s0], [sflag:$0x3] =	stream.indirect_vreg.gather [hbm4b:s10+s3], $0x80, v4, vm1, $0xb8;
	[tilespmem:$0x1C100] =	vst v63  }
0x53: {  	s0 =	simm.s32 $0x5500  }
0x54: {  	[tilespmem:s0], [sflag:$0x3] =	stream.indirect_vreg.gather [hbm4b:s1+s3], $0x80, v3, vm0, $0xb8;
	[tilespmem:$0x1C100] =	vst v63  }
0x55: {  	s0 =	simm.s32 $0x5D00  }
0x56: {  	[tilespmem:s0], [sflag:$0x3] =	stream.indirect_vreg.gather [hbm4b:s7+s3], $0x80, v3, vm0, $0xb8;
	[tilespmem:$0x1C100] =	vst v63  }
0x57: {  	s0 =	simm.s32 $0x6500  }
0x58: {  	[tilespmem:s0], [sflag:$0x3] =	stream.indirect_vreg.gather [hbm4b:s9+s3], $0x80, v3, vm0, $0xb8;
	[tilespmem:$0x1C100] =	vst v63  }
0x59: {  	s0 =	simm.s32 $0x6D00  }
0x5a: {  	[tilespmem:s0], [sflag:$0x3] =	stream.indirect_vreg.gather [hbm4b:s10+s3], $0x80, v3, vm1, $0xb8;
	[tilespmem:$0x1C100] =	vst v63  }
0x5b: {  	v3 =	vld [tilespmem:$0x20];
	_ =	sdelay $0x4  }
0x5c: {  	v58 =	vshrl.u32 v3, $0x3  }
0x5d: {  	v4 =	vmul.u32 $0x38, v58  }
0x5e: {  	v3 =	vand.u32 $0x7, v3  }
0x5f: {  	v3 =	vor.u32 v3, v4  }
0x60: {  	v4 =	vperm.xlane v3, v0;
	_ =	sdelay $0x1  }
0x61: {  	v4 =	vadd.s32 v1, v4;
	_ =	sdelay $0x3  }
0x62: {  	s0 =	simm.s32 $0x7100  }
0x63: {  	[tilespmem:s0], [sflag:$0x3] =	stream.indirect_vreg.gather [hbm4b:s1+s3], $0x80, v4, vm0, $0xb8;
	[tilespmem:$0x1C100] =	vst v63  }
0x64: {  	v3 =	vperm.xlane v3, v2;
	s0 =	simm.s32 $0x7900  }
0x65: {  	[tilespmem:s0], [sflag:$0x3] =	stream.indirect_vreg.gather [hbm4b:s7+s3], $0x80, v4, vm0, $0xb8;
	[tilespmem:$0x1C100] =	vst v63  }
0x66: {  	v3 =	vadd.s32 v1, v3;
	s0 =	simm.s32 $0x8100  }
0x67: {  	[tilespmem:s0], [sflag:$0x3] =	stream.indirect_vreg.gather [hbm4b:s9+s3], $0x80, v4, vm0, $0xb8;
	[tilespmem:$0x1C100] =	vst v63  }
0x68: {  	s0 =	simm.s32 $0x8900  }
0x69: {  	[tilespmem:s0], [sflag:$0x3] =	stream.indirect_vreg.gather [hbm4b:s10+s3], $0x80, v4, vm1, $0xb8;
	[tilespmem:$0x1C100] =	vst v63  }
0x6a: {  	s0 =	simm.s32 $0x8D00  }
0x6b: {  	[tilespmem:s0], [sflag:$0x3] =	stream.indirect_vreg.gather [hbm4b:s1+s3], $0x80, v3, vm0, $0xb8;
	[tilespmem:$0x1C100] =	vst v63  }
0x6c: {  	s0 =	simm.s32 $0x9500  }
0x6d: {  	[tilespmem:s0], [sflag:$0x3] =	stream.indirect_vreg.gather [hbm4b:s7+s3], $0x80, v3, vm0, $0xb8;
	[tilespmem:$0x1C100] =	vst v63  }
0x6e: {  	s0 =	simm.s32 $0x9D00  }
0x6f: {  	[tilespmem:s0], [sflag:$0x3] =	stream.indirect_vreg.gather [hbm4b:s9+s3], $0x80, v3, vm0, $0xb8;
	[tilespmem:$0x1C100] =	vst v63  }
0x70: {  	s0 =	simm.s32 $0xA500  }
0x71: {  	[tilespmem:s0], [sflag:$0x3] =	stream.indirect_vreg.gather [hbm4b:s10+s3], $0x80, v3, vm1, $0xb8;
	[tilespmem:$0x1C100] =	vst v63  }
0x72: {  	v3 =	vld.msk [tilespmem:$0x30], $0xff;
	_ =	sdelay $0x4  }
0x73: {  	v59 =	vshrl.u32 v3, $0x3  }
0x74: {  	v4 =	vmul.u32 $0x38, v59  }
0x75: {  	v3 =	vand.u32 $0x7, v3  }
0x76: {  	v3 =	vor.u32 v3, v4  }
0x77: {  	v3 =	vperm.xlane v3, v0;
	_ =	sdelay $0x1  }
0x78: {  	v3 =	vadd.s32 v1, v3;
	_ =	sdelay $0x4  }
0x79: {  	[tilespmem:s15], [sflag:$0x3] =	stream.indirect_vreg.gather [hbm4b:s1+s3], $0x80, v3, vm0, $0xb8;
	[tilespmem:$0x1C100] =	vst v63  }
0x7a: {  	s0 =	simm.s32 $0xB100  }
0x7b: {  	[tilespmem:s0], [sflag:$0x3] =	stream.indirect_vreg.gather [hbm4b:s7+s3], $0x80, v3, vm0, $0xb8;
	[tilespmem:$0x1C100] =	vst v63  }
0x7c: {  	s0 =	simm.s32 $0xB900  }
0x7d: {  	[tilespmem:s0], [sflag:$0x3] =	stream.indirect_vreg.gather [hbm4b:s9+s3], $0x80, v3, vm0, $0xb8;
	[tilespmem:$0x1C100] =	vst v63  }
0x7e: {  	s0 =	simm.s32 $0xC100  }
0x7f: {  	[tilespmem:s0], [sflag:$0x3] =	stream.indirect_vreg.gather [hbm4b:s10+s3], $0x80, v3, vm1, $0xb8;
	[tilespmem:$0x1C100] =	vst v63  }
0x80: {  	_ = 	snop  }
0x81: {  	[tilespmem:s16], [sflag:$0x5] =	stream.indirect.gather [hbm4b:s4+s31], $0x80, s3, s31, $0xb8;
	[tilespmem:$0x1C100] =	vst v63  }
0x82: {  	_ =	swait.ge [sflag:s30], $0xC400  }
0x83: {  	[sflag:s30] =	ssyncset.done $0x0  }
0x84: {  	[sflag:s30] =	ssyncadd.s32 $0xFFFF3C00  }
0x85: {  	_ =	swait.ge [sflag:s20], $0x1C00  }
0x86: {  	[sflag:s20] =	ssyncset.done $0x0  }
0x87: {  	[sflag:s20] =	ssyncadd.s32 $0xFFFFE400;
	s20 =	rddreg [dreg:$0x8]  }
0x88: {  	[hbm4b:s20+s6] =	stream.strided.scatter [tilespmem:s26], [sflag:$0x7], $0xA800, s11, s6, $0x38;
	[tilespmem:$0x1C100] =	vst v63  }
0x89: {  	s30 =	rddreg [dreg:$0x9]  }
0x8a: {  	[hbm4b:s30+s3] =	stream.linear.scatter [tilespmem:s15], [sflag:$0x7], $0x1C00, $0x38;
	[tilespmem:$0x1C100] =	vst v63  }
0x8b: {  	s20 =	rddreg [dreg:$0xa]  }
0x8c: {  	[hbm4b:s20+s12] =	stream.strided.scatter [tilespmem:s16], [sflag:$0x7], $0x1800, s11, s12, $0x38;
	[tilespmem:$0x1C100] =	vst v63  }
0x8d: {  	s26 =	rddreg [dreg:$0xb];
	s30 =	simm.s32 $0x1A100  }
0x8e: {  	[hbm4b:s26+s3] =	stream.linear.scatter [tilespmem:s30], [sflag:$0x7], $0x400, $0x38;
	[tilespmem:$0x1C100] =	vst v63  }
0x8f: {  	s16 =	rddreg [dreg:$0xc]  }
0x90: {  	[tilespmem:s3], [sflag:$0x1] =	stream.linear.gather [hbm4b:s16+s3], $0x80, $0x38;
	[tilespmem:$0x1C100] =	vst v63  }
0x91: {  	_ =	swait.ge [sflag:s8], $0x80  }
0x92: {  	[sflag:s8] =	ssyncset.done $0x0  }
0x93: {  	[sflag:s8] =	ssyncadd.s32 $0xFFFFFF80  }
0x94: {  	v3 =	vld [tilespmem:$0x80];
	_ =	sdelay $0x4  }
0x95: {  	v60 =	vshrl.u32 v3, $0x3  }
0x96: {  	v4 =	vmul.u32 $0x38, v60  }
0x97: {  	v3 =	vand.u32 $0x7, v3  }
0x98: {  	v3 =	vor.u32 v3, v4  }
0x99: {  	v4 =	vperm.xlane v3, v0;
	_ =	sdelay $0x1  }
0x9a: {  	v4 =	vadd.s32 v1, v4;
	_ =	sdelay $0x4  }
0x9b: {  	[tilespmem:s13], [sflag:$0x4] =	stream.indirect_vreg.gather [hbm4b:s1+s3], $0x80, v4, vm0, $0xb8;
	[tilespmem:$0x1C100] =	vst v63  }
0x9c: {  	s20 =	simm.s32 $0xCD00;
	v3 =	vperm.xlane v3, v2  }
0x9d: {  	[tilespmem:s20], [sflag:$0x4] =	stream.indirect_vreg.gather [hbm4b:s7+s3], $0x80, v4, vm0, $0xb8;
	[tilespmem:$0x1C100] =	vst v63  }
0x9e: {  	s26 =	simm.s32 $0xD500;
	v3 =	vadd.s32 v1, v3  }
0x9f: {  	[tilespmem:s26], [sflag:$0x4] =	stream.indirect_vreg.gather [hbm4b:s9+s3], $0x80, v4, vm0, $0xb8;
	[tilespmem:$0x1C100] =	vst v63  }
0xa0: {  	s30 =	simm.s32 $0xDD00  }
0xa1: {  	[tilespmem:s30], [sflag:$0x4] =	stream.indirect_vreg.gather [hbm4b:s10+s3], $0x80, v4, vm1, $0xb8;
	[tilespmem:$0x1C100] =	vst v63  }
0xa2: {  	s8 =	simm.s32 $0xE100  }
0xa3: {  	[tilespmem:s8], [sflag:$0x4] =	stream.indirect_vreg.gather [hbm4b:s1+s3], $0x80, v3, vm0, $0xb8;
	[tilespmem:$0x1C100] =	vst v63  }
0xa4: {  	s13 =	simm.s32 $0xE900  }
0xa5: {  	[tilespmem:s13], [sflag:$0x4] =	stream.indirect_vreg.gather [hbm4b:s7+s3], $0x80, v3, vm0, $0xb8;
	[tilespmem:$0x1C100] =	vst v63  }
0xa6: {  	s15 =	simm.s32 $0xF100  }
0xa7: {  	[tilespmem:s15], [sflag:$0x4] =	stream.indirect_vreg.gather [hbm4b:s9+s3], $0x80, v3, vm0, $0xb8;
	[tilespmem:$0x1C100] =	vst v63  }
0xa8: {  	s16 =	simm.s32 $0xF900  }
0xa9: {  	[tilespmem:s16], [sflag:$0x4] =	stream.indirect_vreg.gather [hbm4b:s10+s3], $0x80, v3, vm1, $0xb8;
	[tilespmem:$0x1C100] =	vst v63  }
0xaa: {  	v3 =	vld [tilespmem:$0x90];
	_ =	sdelay $0x4  }
0xab: {  	v61 =	vshrl.u32 v3, $0x3  }
0xac: {  	v4 =	vmul.u32 $0x38, v61  }
0xad: {  	v3 =	vand.u32 $0x7, v3  }
0xae: {  	v3 =	vor.u32 v3, v4  }
0xaf: {  	v4 =	vperm.xlane v3, v0;
	_ =	sdelay $0x1  }
0xb0: {  	v4 =	vadd.s32 v1, v4;
	_ =	sdelay $0x3  }
0xb1: {  	s20 =	simm.s32 $0xFD00  }
0xb2: {  	[tilespmem:s20], [sflag:$0x4] =	stream.indirect_vreg.gather [hbm4b:s1+s3], $0x80, v4, vm0, $0xb8;
	[tilespmem:$0x1C100] =	vst v63  }
0xb3: {  	s26 =	simm.s32 $0x10500;
	v3 =	vperm.xlane v3, v2  }
0xb4: {  	[tilespmem:s26], [sflag:$0x4] =	stream.indirect_vreg.gather [hbm4b:s7+s3], $0x80, v4, vm0, $0xb8;
	[tilespmem:$0x1C100] =	vst v63  }
0xb5: {  	s30 =	simm.s32 $0x10D00;
	v3 =	vadd.s32 v1, v3  }
0xb6: {  	[tilespmem:s30], [sflag:$0x4] =	stream.indirect_vreg.gather [hbm4b:s9+s3], $0x80, v4, vm0, $0xb8;
	[tilespmem:$0x1C100] =	vst v63  }
0xb7: {  	s8 =	simm.s32 $0x11500  }
0xb8: {  	[tilespmem:s8], [sflag:$0x4] =	stream.indirect_vreg.gather [hbm4b:s10+s3], $0x80, v4, vm1, $0xb8;
	[tilespmem:$0x1C100] =	vst v63  }
0xb9: {  	s13 =	simm.s32 $0x11900  }
0xba: {  	[tilespmem:s13], [sflag:$0x4] =	stream.indirect_vreg.gather [hbm4b:s1+s3], $0x80, v3, vm0, $0xb8;
	[tilespmem:$0x1C100] =	vst v63  }
0xbb: {  	s15 =	simm.s32 $0x12100  }
0xbc: {  	[tilespmem:s15], [sflag:$0x4] =	stream.indirect_vreg.gather [hbm4b:s7+s3], $0x80, v3, vm0, $0xb8;
	[tilespmem:$0x1C100] =	vst v63  }
0xbd: {  	s16 =	simm.s32 $0x12900  }
0xbe: {  	[tilespmem:s16], [sflag:$0x4] =	stream.indirect_vreg.gather [hbm4b:s9+s3], $0x80, v3, vm0, $0xb8;
	[tilespmem:$0x1C100] =	vst v63  }
0xbf: {  	s20 =	simm.s32 $0x13100  }
0xc0: {  	[tilespmem:s20], [sflag:$0x4] =	stream.indirect_vreg.gather [hbm4b:s10+s3], $0x80, v3, vm1, $0xb8;
	[tilespmem:$0x1C100] =	vst v63  }
0xc1: {  	v3 =	vld [tilespmem:$0xA0];
	_ =	sdelay $0x4  }
0xc2: {  	v62 =	vshrl.u32 v3, $0x3  }
0xc3: {  	v4 =	vmul.u32 $0x38, v62  }
0xc4: {  	v3 =	vand.u32 $0x7, v3  }
0xc5: {  	v3 =	vor.u32 v3, v4  }
0xc6: {  	v4 =	vperm.xlane v3, v0;
	_ =	sdelay $0x1  }
0xc7: {  	v4 =	vadd.s32 v1, v4;
	_ =	sdelay $0x3  }
0xc8: {  	s26 =	simm.s32 $0x13500  }
0xc9: {  	[tilespmem:s26], [sflag:$0x4] =	stream.indirect_vreg.gather [hbm4b:s1+s3], $0x80, v4, vm0, $0xb8;
	[tilespmem:$0x1C100] =	vst v63  }
0xca: {  	v3 =	vperm.xlane v3, v2  }
0xcb: {  	[tilespmem:s28], [sflag:$0x4] =	stream.indirect_vreg.gather [hbm4b:s7+s3], $0x80, v4, vm0, $0xb8;
	[tilespmem:$0x1C100] =	vst v63  }
0xcc: {  	v3 =	vadd.s32 v1, v3  }
0xcd: {  	[tilespmem:s14], [sflag:$0x4] =	stream.indirect_vreg.gather [hbm4b:s9+s3], $0x80, v4, vm0, $0xb8;
	[tilespmem:$0x1C100] =	vst v63  }
0xce: {  	_ = 	snop  }
0xcf: {  	[tilespmem:s18], [sflag:$0x4] =	stream.indirect_vreg.gather [hbm4b:s10+s3], $0x80, v4, vm1, $0xb8;
	[tilespmem:$0x1C100] =	vst v63  }
0xd0: {  	_ = 	snop  }
0xd1: {  	[tilespmem:s5], [sflag:$0x4] =	stream.indirect_vreg.gather [hbm4b:s1+s3], $0x80, v3, vm0, $0xb8;
	[tilespmem:$0x1C100] =	vst v63  }
0xd2: {  	_ = 	snop  }
0xd3: {  	[tilespmem:s21], [sflag:$0x4] =	stream.indirect_vreg.gather [hbm4b:s7+s3], $0x80, v3, vm0, $0xb8;
	[tilespmem:$0x1C100] =	vst v63  }
0xd4: {  	_ = 	snop  }
0xd5: {  	[tilespmem:s29], [sflag:$0x4] =	stream.indirect_vreg.gather [hbm4b:s9+s3], $0x80, v3, vm0, $0xb8;
	[tilespmem:$0x1C100] =	vst v63  }
0xd6: {  	_ = 	snop  }
0xd7: {  	[tilespmem:s22], [sflag:$0x4] =	stream.indirect_vreg.gather [hbm4b:s10+s3], $0x80, v3, vm1, $0xb8;
	[tilespmem:$0x1C100] =	vst v63  }
0xd8: {  	v3 =	vld.msk [tilespmem:$0xB0], $0xff;
	_ =	sdelay $0x4  }
0xd9: {  	v63 =	vshrl.u32 v3, $0x3  }
0xda: {  	v4 =	vmul.u32 $0x38, v63  }
0xdb: {  	v3 =	vand.u32 $0x7, v3  }
0xdc: {  	v3 =	vor.u32 v3, v4  }
0xdd: {  	v3 =	vperm.xlane v3, v0;
	_ =	sdelay $0x1  }
0xde: {  	v3 =	vadd.s32 v1, v3;
	_ =	sdelay $0x4  }
0xdf: {  	[tilespmem:s2], [sflag:$0x4] =	stream.indirect_vreg.gather [hbm4b:s1+s3], $0x80, v3, vm0, $0xb8;
	[tilespmem:$0x1C100] =	vst v63  }
0xe0: {  	_ = 	snop  }
0xe1: {  	[tilespmem:s23], [sflag:$0x4] =	stream.indirect_vreg.gather [hbm4b:s7+s3], $0x80, v3, vm0, $0xb8;
	[tilespmem:$0x1C100] =	vst v63  }
0xe2: {  	_ = 	snop  }
0xe3: {  	[tilespmem:s17], [sflag:$0x4] =	stream.indirect_vreg.gather [hbm4b:s9+s3], $0x80, v3, vm0, $0xb8;
	[tilespmem:$0x1C100] =	vst v63  }
0xe4: {  	s30 =	simm.s32 $0x80  }
0xe5: {  	[tilespmem:s24], [sflag:$0x4] =	stream.indirect_vreg.gather [hbm4b:s10+s3], $0x80, v3, vm1, $0xb8;
	[tilespmem:$0x1C100] =	vst v63  }
0xe6: {  	s15 =	simm.s32 $0x2;
	s16 =	simm.s32 $0x0;
	s24 =	rddreg [dreg:$0x16]  }
0xe7: {  	[tilespmem:s25], [sflag:$0x6] =	stream.indirect.gather [hbm4b:s4+s31], $0x80, s30, s31, $0xb8;
	[tilespmem:$0x1C100] =	vst v63  }
.LBB2_2:
0xe8: {  	s8 =	sadd.s32 $0xFFFFFFFF, s15  }
0xe9: {  	s8 =	sand.u32 $0x1, s8  }
0xea: {  	s17 =	sadd.s32 $0x3, s8  }
0xeb: {  	_ =	swait.ge [sflag:s17], $0xC400  }
0xec: {  	[sflag:s17] =	ssyncset.done $0x0  }
0xed: {  	s18 =	sadd.s32 $0x5, s8;
	s26 =	smul.u32 $0x31000, s8;
	[sflag:s17] =	ssyncadd.s32 $0xFFFF3C00  }
0xee: {  	s28 =	sadd.s32 $0x7, s8;
	_ =	swait.ge [sflag:s18], $0x1C00  }
0xef: {  	s21 =	sshrl.u32 s26, $0x2;
	s26 =	smul.u32 $0x7000, s8;
	s25 =	rddreg [dreg:$0x3]  }
0xf0: {  	s2 =	sor.u32 $0x100, s21;
	[sflag:s18] =	ssyncset.done $0x0;
	s20 =	sadd.s32 s16, s25  }
0xf1: {  	s22 =	rddreg [dreg:$0x4];
	[sflag:s18] =	ssyncadd.s32 $0xFFFFE400;
	s0 =	sadd.s32 $0x1C00, s20  }
0xf2: {  	[hbm4b:s0+s6] =	stream.strided.scatter [tilespmem:s2], [sflag:s28], $0xA800, s11, s6, $0x38;
	[tilespmem:$0x1C100] =	vst v63  }
0xf3: {  	s29 =	sshrl.u32 s26, $0x2;
	s23 =	sadd.s32 s16, s22;
	s25 =	sadd.s32 $0xA900, s21  }
0xf4: {  	[hbm4b:s23+s3] =	stream.linear.scatter [tilespmem:s25], [sflag:s28], $0x1C00, $0x38;
	[tilespmem:$0x1C100] =	vst v63  }
0xf5: {  	s30 =	rddreg [dreg:$0x5];
	s17 =	sadd.s32 $0x1F80, s20;
	s25 =	sadd.s32 $0x18900, s29  }
0xf6: {  	[hbm4b:s17+s12] =	stream.strided.scatter [tilespmem:s25], [sflag:s28], $0x1800, s11, s12, $0x38;
	[tilespmem:$0x1C100] =	vst v63  }
0xf7: {  	s2 =	sadd.s32 s16, s30;
	s0 =	sor.u32 $0x1A100, s29;
	s17 =	sand.u32 $0x1, s15  }
0xf8: {  	[hbm4b:s2+s3] =	stream.linear.scatter [tilespmem:s0], [sflag:s28], $0x400, $0x38;
	[tilespmem:$0x1C100] =	vst v63  }
0xf9: {  	s5 =	sshll.u32 s8, $0x7;
	s13 =	sadd.s32 $0x1, s8;
	s14 =	sadd.s32 $0x7, s17  }
0xfa: {  	[tilespmem:s5], [sflag:s13] =	stream.linear.gather [hbm4b:s24+s3], $0x80, $0x38;
	[tilespmem:$0x1C100] =	vst v63  }
0xfb: {  	_ =	swait.ge [sflag:s14], $0xA800  }
0xfc: {  	[sflag:s14] =	ssyncset.done $0x0  }
0xfd: {  	[sflag:s14] =	ssyncadd.s32 $0xFFFF5800  }
0xfe: {  	_ =	swait.ge [sflag:s14], $0x1C00  }
0xff: {  	[sflag:s14] =	ssyncset.done $0x0  }
0x100: {  	[sflag:s14] =	ssyncadd.s32 $0xFFFFE400  }
0x101: {  	_ =	swait.ge [sflag:s14], $0x1800  }
0x102: {  	[sflag:s14] =	ssyncset.done $0x0  }
0x103: {  	[sflag:s14] =	ssyncadd.s32 $0xFFFFE800  }
0x104: {  	_ =	swait.ge [sflag:s14], $0x400  }
0x105: {  	[sflag:s14] =	ssyncset.done $0x0  }
0x106: {  	s18 =	sadd.s32 $0x1, s17;
	[sflag:s14] =	ssyncadd.s32 $0xFFFFFC00  }
0x107: {  	_ =	swait.ge [sflag:s18], $0x80  }
0x108: {  	[sflag:s18] =	ssyncset.done $0x0  }
0x109: {  	s8 =	sshll.u32 s17, $0x7;
	[sflag:s18] =	ssyncadd.s32 $0xFFFFFF80  }
0x10a: {  	v3 =	vld [tilespmem:s8+$0x0];
	_ =	sdelay $0x4  }
0x10b: {  	v4 =	vshrl.u32 v3, $0x3  }
0x10c: {  	v4 =	vmul.u32 $0x38, v4  }
0x10d: {  	v3 =	vand.u32 $0x7, v3  }
0x10e: {  	v3 =	vor.u32 v3, v4  }
0x10f: {  	v4 =	vperm.xlane v3, v0;
	_ =	sdelay $0x1  }
0x110: {  	v4 =	vadd.s32 v1, v4  }
0x111: {  	s20 =	smul.u32 $0x31000, s17;
	_ =	sdelay $0x1  }
0x112: {  	s25 =	sshrl.u32 s20, $0x2  }
0x113: {  	s26 =	sadd.s32 $0x3, s17;
	s0 =	sor.u32 $0x100, s25  }
0x114: {  	[tilespmem:s0], [sflag:s26] =	stream.indirect_vreg.gather [hbm4b:s1+s3], $0x80, v4, vm0, $0xb8;
	[tilespmem:$0x1C100] =	vst v63  }
0x115: {  	s21 =	sadd.s32 $0x900, s25;
	v3 =	vperm.xlane v3, v2  }
0x116: {  	[tilespmem:s21], [sflag:s26] =	stream.indirect_vreg.gather [hbm4b:s7+s3], $0x80, v4, vm0, $0xb8;
	[tilespmem:$0x1C100] =	vst v63  }
0x117: {  	s22 =	sadd.s32 $0x1100, s25;
	v3 =	vadd.s32 v1, v3  }
0x118: {  	[tilespmem:s22], [sflag:s26] =	stream.indirect_vreg.gather [hbm4b:s9+s3], $0x80, v4, vm0, $0xb8;
	[tilespmem:$0x1C100] =	vst v63  }
0x119: {  	s23 =	sadd.s32 $0x1900, s25  }
0x11a: {  	[tilespmem:s23], [sflag:s26] =	stream.indirect_vreg.gather [hbm4b:s10+s3], $0x80, v4, vm1, $0xb8;
	[tilespmem:$0x1C100] =	vst v63  }
0x11b: {  	s28 =	sadd.s32 $0x1D00, s25  }
0x11c: {  	[tilespmem:s28], [sflag:s26] =	stream.indirect_vreg.gather [hbm4b:s1+s3], $0x80, v3, vm0, $0xb8;
	[tilespmem:$0x1C100] =	vst v63  }
0x11d: {  	s29 =	sadd.s32 $0x2500, s25  }
0x11e: {  	[tilespmem:s29], [sflag:s26] =	stream.indirect_vreg.gather [hbm4b:s7+s3], $0x80, v3, vm0, $0xb8;
	[tilespmem:$0x1C100] =	vst v63  }
0x11f: {  	s30 =	sadd.s32 $0x2D00, s25  }
0x120: {  	[tilespmem:s30], [sflag:s26] =	stream.indirect_vreg.gather [hbm4b:s9+s3], $0x80, v3, vm0, $0xb8;
	[tilespmem:$0x1C100] =	vst v63  }
0x121: {  	s2 =	sadd.s32 $0x3500, s25  }
0x122: {  	[tilespmem:s2], [sflag:s26] =	stream.indirect_vreg.gather [hbm4b:s10+s3], $0x80, v3, vm1, $0xb8;
	[tilespmem:$0x1C100] =	vst v63  }
0x123: {  	v3 =	vld [tilespmem:s8+$0x10];
	_ =	sdelay $0x4  }
0x124: {  	v61 =	vshrl.u32 v3, $0x3  }
0x125: {  	v4 =	vmul.u32 $0x38, v61  }
0x126: {  	v3 =	vand.u32 $0x7, v3  }
0x127: {  	v3 =	vor.u32 v3, v4  }
0x128: {  	v4 =	vperm.xlane v3, v0;
	_ =	sdelay $0x1  }
0x129: {  	v4 =	vadd.s32 v1, v4;
	_ =	sdelay $0x3  }
0x12a: {  	s5 =	sadd.s32 $0x3900, s25  }
0x12b: {  	[tilespmem:s5], [sflag:s26] =	stream.indirect_vreg.gather [hbm4b:s1+s3], $0x80, v4, vm0, $0xb8;
	[tilespmem:$0x1C100] =	vst v63  }
0x12c: {  	s13 =	sadd.s32 $0x4100, s25;
	v3 =	vperm.xlane v3, v2  }
0x12d: {  	[tilespmem:s13], [sflag:s26] =	stream.indirect_vreg.gather [hbm4b:s7+s3], $0x80, v4, vm0, $0xb8;
	[tilespmem:$0x1C100] =	vst v63  }
0x12e: {  	s14 =	sadd.s32 $0x4900, s25;
	v3 =	vadd.s32 v1, v3  }
0x12f: {  	[tilespmem:s14], [sflag:s26] =	stream.indirect_vreg.gather [hbm4b:s9+s3], $0x80, v4, vm0, $0xb8;
	[tilespmem:$0x1C100] =	vst v63  }
0x130: {  	s18 =	sadd.s32 $0x5100, s25  }
0x131: {  	[tilespmem:s18], [sflag:s26] =	stream.indirect_vreg.gather [hbm4b:s10+s3], $0x80, v4, vm1, $0xb8;
	[tilespmem:$0x1C100] =	vst v63  }
0x132: {  	s20 =	sadd.s32 $0x5500, s25  }
0x133: {  	[tilespmem:s20], [sflag:s26] =	stream.indirect_vreg.gather [hbm4b:s1+s3], $0x80, v3, vm0, $0xb8;
	[tilespmem:$0x1C100] =	vst v63  }
0x134: {  	s21 =	sadd.s32 $0x5D00, s25  }
0x135: {  	[tilespmem:s21], [sflag:s26] =	stream.indirect_vreg.gather [hbm4b:s7+s3], $0x80, v3, vm0, $0xb8;
	[tilespmem:$0x1C100] =	vst v63  }
0x136: {  	s22 =	sadd.s32 $0x6500, s25  }
0x137: {  	[tilespmem:s22], [sflag:s26] =	stream.indirect_vreg.gather [hbm4b:s9+s3], $0x80, v3, vm0, $0xb8;
	[tilespmem:$0x1C100] =	vst v63  }
0x138: {  	s23 =	sadd.s32 $0x6D00, s25  }
0x139: {  	[tilespmem:s23], [sflag:s26] =	stream.indirect_vreg.gather [hbm4b:s10+s3], $0x80, v3, vm1, $0xb8;
	[tilespmem:$0x1C100] =	vst v63  }
0x13a: {  	v3 =	vld [tilespmem:s8+$0x20];
	_ =	sdelay $0x4  }
0x13b: {  	v62 =	vshrl.u32 v3, $0x3  }
0x13c: {  	v4 =	vmul.u32 $0x38, v62  }
0x13d: {  	v3 =	vand.u32 $0x7, v3  }
0x13e: {  	v3 =	vor.u32 v3, v4  }
0x13f: {  	v4 =	vperm.xlane v3, v0;
	_ =	sdelay $0x1  }
0x140: {  	v4 =	vadd.s32 v1, v4;
	_ =	sdelay $0x3  }
0x141: {  	s28 =	sadd.s32 $0x7100, s25  }
0x142: {  	[tilespmem:s28], [sflag:s26] =	stream.indirect_vreg.gather [hbm4b:s1+s3], $0x80, v4, vm0, $0xb8;
	[tilespmem:$0x1C100] =	vst v63  }
0x143: {  	s29 =	sadd.s32 $0x7900, s25;
	v3 =	vperm.xlane v3, v2  }
0x144: {  	[tilespmem:s29], [sflag:s26] =	stream.indirect_vreg.gather [hbm4b:s7+s3], $0x80, v4, vm0, $0xb8;
	[tilespmem:$0x1C100] =	vst v63  }
0x145: {  	s30 =	sadd.s32 $0x8100, s25;
	v3 =	vadd.s32 v1, v3  }
0x146: {  	[tilespmem:s30], [sflag:s26] =	stream.indirect_vreg.gather [hbm4b:s9+s3], $0x80, v4, vm0, $0xb8;
	[tilespmem:$0x1C100] =	vst v63  }
0x147: {  	s2 =	sadd.s32 $0x8900, s25  }
0x148: {  	[tilespmem:s2], [sflag:s26] =	stream.indirect_vreg.gather [hbm4b:s10+s3], $0x80, v4, vm1, $0xb8;
	[tilespmem:$0x1C100] =	vst v63  }
0x149: {  	s5 =	sadd.s32 $0x8D00, s25  }
0x14a: {  	[tilespmem:s5], [sflag:s26] =	stream.indirect_vreg.gather [hbm4b:s1+s3], $0x80, v3, vm0, $0xb8;
	[tilespmem:$0x1C100] =	vst v63  }
0x14b: {  	s13 =	sadd.s32 $0x9500, s25  }
0x14c: {  	[tilespmem:s13], [sflag:s26] =	stream.indirect_vreg.gather [hbm4b:s7+s3], $0x80, v3, vm0, $0xb8;
	[tilespmem:$0x1C100] =	vst v63  }
0x14d: {  	s14 =	sadd.s32 $0x9D00, s25  }
0x14e: {  	[tilespmem:s14], [sflag:s26] =	stream.indirect_vreg.gather [hbm4b:s9+s3], $0x80, v3, vm0, $0xb8;
	[tilespmem:$0x1C100] =	vst v63  }
0x14f: {  	s18 =	sadd.s32 $0xA500, s25;
	s20 =	sor.u32 $0x30, s8  }
0x150: {  	[tilespmem:s18], [sflag:s26] =	stream.indirect_vreg.gather [hbm4b:s10+s3], $0x80, v3, vm1, $0xb8;
	[tilespmem:$0x1C100] =	vst v63  }
0x151: {  	v3 =	vld.msk [tilespmem:s20+$0x0], $0xff;
	_ =	sdelay $0x4  }
0x152: {  	v63 =	vshrl.u32 v3, $0x3  }
0x153: {  	v4 =	vmul.u32 $0x38, v63  }
0x154: {  	v3 =	vand.u32 $0x7, v3  }
0x155: {  	v3 =	vor.u32 v3, v4  }
0x156: {  	v3 =	vperm.xlane v3, v0;
	_ =	sdelay $0x1  }
0x157: {  	v3 =	vadd.s32 v1, v3;
	_ =	sdelay $0x3  }
0x158: {  	s21 =	sadd.s32 $0xA900, s25  }
0x159: {  	[tilespmem:s21], [sflag:s26] =	stream.indirect_vreg.gather [hbm4b:s1+s3], $0x80, v3, vm0, $0xb8;
	[tilespmem:$0x1C100] =	vst v63  }
0x15a: {  	s22 =	sadd.s32 $0xB100, s25  }
0x15b: {  	[tilespmem:s22], [sflag:s26] =	stream.indirect_vreg.gather [hbm4b:s7+s3], $0x80, v3, vm0, $0xb8;
	[tilespmem:$0x1C100] =	vst v63  }
0x15c: {  	p0 =	sne.s32 s16, $0x31000;
	s23 =	sadd.s32 $0xB900, s25;
	s28 =	smul.u32 $0x7000, s17  }
0x15d: {  	[tilespmem:s23], [sflag:s26] =	stream.indirect_vreg.gather [hbm4b:s9+s3], $0x80, v3, vm0, $0xb8;
	[tilespmem:$0x1C100] =	vst v63  }
.Ltmp0:
0x15e: {  	s16 =	sadd.s32 $0x1C00, s16;
	(pc) =	sbr.rel @p0 .LBB2_2-.Ltmp0, $4  }
0x15f: {  	s15 =	sadd.s32 $0x1, s15;
	s25 =	sadd.s32 $0xC100, s25;
	s29 =	sshrl.u32 s28, $0x2  }
0x160: {  	[tilespmem:s25], [sflag:s26] =	stream.indirect_vreg.gather [hbm4b:s10+s3], $0x80, v3, vm1, $0xb8;
	[tilespmem:$0x1C100] =	vst v63  }
0x161: {  	s24 =	sadd.s32 $0x10, s24;
	s0 =	sadd.s32 $0x18900, s29;
	s30 =	sadd.s32 $0x5, s17  }
0x162: {  	[tilespmem:s0], [sflag:s30] =	stream.indirect.gather [hbm4b:s4+s31], $0x80, s8, s31, $0xb8;
	[tilespmem:$0x1C100] =	vst v63  }
0x163: {  	s30 =	simm.s32 $0x3  }
0x164: {  	_ =	swait.ge [sflag:s30], $0xC400  }
0x165: {  	[sflag:s30] =	ssyncset.done $0x0  }
0x166: {  	s20 =	simm.s32 $0x5;
	[sflag:s30] =	ssyncadd.s32 $0xFFFF3C00  }
0x167: {  	_ =	swait.ge [sflag:s20], $0x1C00  }
0x168: {  	[sflag:s20] =	ssyncset.done $0x0  }
0x169: {  	s2 =	simm.s32 $0x100;
	s0 =	rddreg [dreg:$0xd];
	[sflag:s20] =	ssyncadd.s32 $0xFFFFE400  }
0x16a: {  	[hbm4b:s0+s6] =	stream.strided.scatter [tilespmem:s2], [sflag:$0x7], $0xA800, s11, s6, $0x38;
	[tilespmem:$0x1C100] =	vst v63  }
0x16b: {  	s15 =	simm.s32 $0xA900;
	s13 =	rddreg [dreg:$0xe]  }
0x16c: {  	[hbm4b:s13+s3] =	stream.linear.scatter [tilespmem:s15], [sflag:$0x7], $0x1C00, $0x38;
	[tilespmem:$0x1C100] =	vst v63  }
0x16d: {  	s16 =	simm.s32 $0x18900;
	s14 =	rddreg [dreg:$0xf]  }
0x16e: {  	[hbm4b:s14+s12] =	stream.strided.scatter [tilespmem:s16], [sflag:$0x7], $0x1800, s11, s12, $0x38;
	[tilespmem:$0x1C100] =	vst v63  }
0x16f: {  	s18 =	simm.s32 $0x1A100;
	s17 =	rddreg [dreg:$0x10]  }
0x170: {  	[hbm4b:s17+s3] =	stream.linear.scatter [tilespmem:s18], [sflag:$0x7], $0x400, $0x38;
	[tilespmem:$0x1C100] =	vst v63  }
0x171: {  	_ =	swait.ge [sflag:s19], $0xA800  }
0x172: {  	[sflag:s19] =	ssyncset.done $0x0  }
0x173: {  	[sflag:s19] =	ssyncadd.s32 $0xFFFF5800  }
0x174: {  	_ =	swait.ge [sflag:s19], $0x1C00  }
0x175: {  	[sflag:s19] =	ssyncset.done $0x0  }
0x176: {  	[sflag:s19] =	ssyncadd.s32 $0xFFFFE400  }
0x177: {  	_ =	swait.ge [sflag:s19], $0x1800  }
0x178: {  	[sflag:s19] =	ssyncset.done $0x0  }
0x179: {  	[sflag:s19] =	ssyncadd.s32 $0xFFFFE800  }
0x17a: {  	_ =	swait.ge [sflag:s19], $0x400  }
0x17b: {  	[sflag:s19] =	ssyncset.done $0x0  }
0x17c: {  	s8 =	simm.s32 $0x2;
	[sflag:s19] =	ssyncadd.s32 $0xFFFFFC00  }
0x17d: {  	_ =	swait.ge [sflag:s8], $0x80  }
0x17e: {  	[sflag:s8] =	ssyncset.done $0x0  }
0x17f: {  	[sflag:s8] =	ssyncadd.s32 $0xFFFFFF80  }
0x180: {  	v3 =	vld [tilespmem:$0x80];
	_ =	sdelay $0x4  }
0x181: {  	v4 =	vshrl.u32 v3, $0x3  }
0x182: {  	v4 =	vmul.u32 $0x38, v4  }
0x183: {  	v3 =	vand.u32 $0x7, v3  }
0x184: {  	v3 =	vor.u32 v3, v4  }
0x185: {  	v4 =	vperm.xlane v3, v0;
	_ =	sdelay $0x1  }
0x186: {  	v4 =	vadd.s32 v1, v4;
	_ =	sdelay $0x3  }
0x187: {  	s13 =	simm.s32 $0xC500  }
0x188: {  	[tilespmem:s13], [sflag:$0x4] =	stream.indirect_vreg.gather [hbm4b:s1+s3], $0x80, v4, vm0, $0xb8;
	[tilespmem:$0x1C100] =	vst v63  }
0x189: {  	s21 =	simm.s32 $0xCD00;
	v3 =	vperm.xlane v3, v2  }
0x18a: {  	[tilespmem:s21], [sflag:$0x4] =	stream.indirect_vreg.gather [hbm4b:s7+s3], $0x80, v4, vm0, $0xb8;
	[tilespmem:$0x1C100] =	vst v63  }
0x18b: {  	s22 =	simm.s32 $0xD500;
	v3 =	vadd.s32 v1, v3  }
0x18c: {  	[tilespmem:s22], [sflag:$0x4] =	stream.indirect_vreg.gather [hbm4b:s9+s3], $0x80, v4, vm0, $0xb8;
	[tilespmem:$0x1C100] =	vst v63  }
0x18d: {  	s23 =	simm.s32 $0xDD00  }
0x18e: {  	[tilespmem:s23], [sflag:$0x4] =	stream.indirect_vreg.gather [hbm4b:s10+s3], $0x80, v4, vm1, $0xb8;
	[tilespmem:$0x1C100] =	vst v63  }
0x18f: {  	s24 =	simm.s32 $0xE100  }
0x190: {  	[tilespmem:s24], [sflag:$0x4] =	stream.indirect_vreg.gather [hbm4b:s1+s3], $0x80, v3, vm0, $0xb8;
	[tilespmem:$0x1C100] =	vst v63  }
0x191: {  	s25 =	simm.s32 $0xE900  }
0x192: {  	[tilespmem:s25], [sflag:$0x4] =	stream.indirect_vreg.gather [hbm4b:s7+s3], $0x80, v3, vm0, $0xb8;
	[tilespmem:$0x1C100] =	vst v63  }
0x193: {  	s26 =	simm.s32 $0xF100  }
0x194: {  	[tilespmem:s26], [sflag:$0x4] =	stream.indirect_vreg.gather [hbm4b:s9+s3], $0x80, v3, vm0, $0xb8;
	[tilespmem:$0x1C100] =	vst v63  }
0x195: {  	s2 =	simm.s32 $0xF900  }
0x196: {  	[tilespmem:s2], [sflag:$0x4] =	stream.indirect_vreg.gather [hbm4b:s10+s3], $0x80, v3, vm1, $0xb8;
	[tilespmem:$0x1C100] =	vst v63  }
0x197: {  	v3 =	vld [tilespmem:$0x90];
	_ =	sdelay $0x4  }
0x198: {  	v61 =	vshrl.u32 v3, $0x3  }
0x199: {  	v4 =	vmul.u32 $0x38, v61  }
0x19a: {  	v3 =	vand.u32 $0x7, v3  }
0x19b: {  	v3 =	vor.u32 v3, v4  }
0x19c: {  	v4 =	vperm.xlane v3, v0;
	_ =	sdelay $0x1  }
0x19d: {  	v4 =	vadd.s32 v1, v4;
	_ =	sdelay $0x3  }
0x19e: {  	s5 =	simm.s32 $0xFD00  }
0x19f: {  	[tilespmem:s5], [sflag:$0x4] =	stream.indirect_vreg.gather [hbm4b:s1+s3], $0x80, v4, vm0, $0xb8;
	[tilespmem:$0x1C100] =	vst v63  }
0x1a0: {  	s14 =	simm.s32 $0x10500;
	v3 =	vperm.xlane v3, v2  }
0x1a1: {  	[tilespmem:s14], [sflag:$0x4] =	stream.indirect_vreg.gather [hbm4b:s7+s3], $0x80, v4, vm0, $0xb8;
	[tilespmem:$0x1C100] =	vst v63  }
0x1a2: {  	s17 =	simm.s32 $0x10D00;
	v3 =	vadd.s32 v1, v3  }
0x1a3: {  	[tilespmem:s17], [sflag:$0x4] =	stream.indirect_vreg.gather [hbm4b:s9+s3], $0x80, v4, vm0, $0xb8;
	[tilespmem:$0x1C100] =	vst v63  }
0x1a4: {  	s18 =	simm.s32 $0x11500  }
0x1a5: {  	[tilespmem:s18], [sflag:$0x4] =	stream.indirect_vreg.gather [hbm4b:s10+s3], $0x80, v4, vm1, $0xb8;
	[tilespmem:$0x1C100] =	vst v63  }
0x1a6: {  	s21 =	simm.s32 $0x11900  }
0x1a7: {  	[tilespmem:s21], [sflag:$0x4] =	stream.indirect_vreg.gather [hbm4b:s1+s3], $0x80, v3, vm0, $0xb8;
	[tilespmem:$0x1C100] =	vst v63  }
0x1a8: {  	s22 =	simm.s32 $0x12100  }
0x1a9: {  	[tilespmem:s22], [sflag:$0x4] =	stream.indirect_vreg.gather [hbm4b:s7+s3], $0x80, v3, vm0, $0xb8;
	[tilespmem:$0x1C100] =	vst v63  }
0x1aa: {  	s23 =	simm.s32 $0x12900  }
0x1ab: {  	[tilespmem:s23], [sflag:$0x4] =	stream.indirect_vreg.gather [hbm4b:s9+s3], $0x80, v3, vm0, $0xb8;
	[tilespmem:$0x1C100] =	vst v63  }
0x1ac: {  	s24 =	simm.s32 $0x13100  }
0x1ad: {  	[tilespmem:s24], [sflag:$0x4] =	stream.indirect_vreg.gather [hbm4b:s10+s3], $0x80, v3, vm1, $0xb8;
	[tilespmem:$0x1C100] =	vst v63  }
0x1ae: {  	v3 =	vld [tilespmem:$0xA0];
	_ =	sdelay $0x4  }
0x1af: {  	v62 =	vshrl.u32 v3, $0x3  }
0x1b0: {  	v4 =	vmul.u32 $0x38, v62  }
0x1b1: {  	v3 =	vand.u32 $0x7, v3  }
0x1b2: {  	v3 =	vor.u32 v3, v4  }
0x1b3: {  	v4 =	vperm.xlane v3, v0;
	_ =	sdelay $0x1  }
0x1b4: {  	v4 =	vadd.s32 v1, v4;
	_ =	sdelay $0x3  }
0x1b5: {  	s25 =	simm.s32 $0x13500  }
0x1b6: {  	[tilespmem:s25], [sflag:$0x4] =	stream.indirect_vreg.gather [hbm4b:s1+s3], $0x80, v4, vm0, $0xb8;
	[tilespmem:$0x1C100] =	vst v63  }
0x1b7: {  	s28 =	simm.s32 $0x13D00;
	v3 =	vperm.xlane v3, v2  }
0x1b8: {  	[tilespmem:s28], [sflag:$0x4] =	stream.indirect_vreg.gather [hbm4b:s7+s3], $0x80, v4, vm0, $0xb8;
	[tilespmem:$0x1C100] =	vst v63  }
0x1b9: {  	s14 =	simm.s32 $0x14500;
	v3 =	vadd.s32 v1, v3  }
0x1ba: {  	[tilespmem:s14], [sflag:$0x4] =	stream.indirect_vreg.gather [hbm4b:s9+s3], $0x80, v4, vm0, $0xb8;
	[tilespmem:$0x1C100] =	vst v63  }
0x1bb: {  	s18 =	simm.s32 $0x14D00  }
0x1bc: {  	[tilespmem:s18], [sflag:$0x4] =	stream.indirect_vreg.gather [hbm4b:s10+s3], $0x80, v4, vm1, $0xb8;
	[tilespmem:$0x1C100] =	vst v63  }
0x1bd: {  	s5 =	simm.s32 $0x15100  }
0x1be: {  	[tilespmem:s5], [sflag:$0x4] =	stream.indirect_vreg.gather [hbm4b:s1+s3], $0x80, v3, vm0, $0xb8;
	[tilespmem:$0x1C100] =	vst v63  }
0x1bf: {  	s21 =	simm.s32 $0x15900  }
0x1c0: {  	[tilespmem:s21], [sflag:$0x4] =	stream.indirect_vreg.gather [hbm4b:s7+s3], $0x80, v3, vm0, $0xb8;
	[tilespmem:$0x1C100] =	vst v63  }
0x1c1: {  	s29 =	simm.s32 $0x16100  }
0x1c2: {  	[tilespmem:s29], [sflag:$0x4] =	stream.indirect_vreg.gather [hbm4b:s9+s3], $0x80, v3, vm0, $0xb8;
	[tilespmem:$0x1C100] =	vst v63  }
0x1c3: {  	s22 =	simm.s32 $0x16900  }
0x1c4: {  	[tilespmem:s22], [sflag:$0x4] =	stream.indirect_vreg.gather [hbm4b:s10+s3], $0x80, v3, vm1, $0xb8;
	[tilespmem:$0x1C100] =	vst v63  }
0x1c5: {  	v3 =	vld.msk [tilespmem:$0xB0], $0xff;
	_ =	sdelay $0x4  }
0x1c6: {  	v63 =	vshrl.u32 v3, $0x3  }
0x1c7: {  	v4 =	vmul.u32 $0x38, v63  }
0x1c8: {  	v3 =	vand.u32 $0x7, v3  }
0x1c9: {  	v3 =	vor.u32 v3, v4  }
0x1ca: {  	v3 =	vperm.xlane v3, v0;
	_ =	sdelay $0x1  }
0x1cb: {  	v3 =	vadd.s32 v1, v3;
	_ =	sdelay $0x3  }
0x1cc: {  	s2 =	simm.s32 $0x16D00  }
0x1cd: {  	[tilespmem:s2], [sflag:$0x4] =	stream.indirect_vreg.gather [hbm4b:s1+s3], $0x80, v3, vm0, $0xb8;
	[tilespmem:$0x1C100] =	vst v63  }
0x1ce: {  	s23 =	simm.s32 $0x17500  }
0x1cf: {  	[tilespmem:s23], [sflag:$0x4] =	stream.indirect_vreg.gather [hbm4b:s7+s3], $0x80, v3, vm0, $0xb8;
	[tilespmem:$0x1C100] =	vst v63  }
0x1d0: {  	s17 =	simm.s32 $0x17D00  }
0x1d1: {  	[tilespmem:s17], [sflag:$0x4] =	stream.indirect_vreg.gather [hbm4b:s9+s3], $0x80, v3, vm0, $0xb8;
	[tilespmem:$0x1C100] =	vst v63  }
0x1d2: {  	s24 =	simm.s32 $0x18500  }
0x1d3: {  	[tilespmem:s24], [sflag:$0x4] =	stream.indirect_vreg.gather [hbm4b:s10+s3], $0x80, v3, vm1, $0xb8;
	[tilespmem:$0x1C100] =	vst v63  }
0x1d4: {  	s26 =	simm.s32 $0x80;
	s25 =	simm.s32 $0x1A500  }
0x1d5: {  	[tilespmem:s25], [sflag:$0x6] =	stream.indirect.gather [hbm4b:s4+s31], $0x80, s26, s31, $0xb8;
	[tilespmem:$0x1C100] =	vst v63  }
0x1d6: {  	s26 =	simm.s32 $0x4  }
0x1d7: {  	_ =	swait.ge [sflag:s26], $0xC400  }
0x1d8: {  	[sflag:s26] =	ssyncset.done $0x0  }
0x1d9: {  	[sflag:s26] =	ssyncadd.s32 $0xFFFF3C00;
	s26 =	simm.s32 $0x6  }
0x1da: {  	_ =	swait.ge [sflag:s26], $0x1C00  }
0x1db: {  	[sflag:s26] =	ssyncset.done $0x0  }
0x1dc: {  	[sflag:s26] =	ssyncadd.s32 $0xFFFFE400;
	s26 =	rddreg [dreg:$0x11]  }
0x1dd: {  	[hbm4b:s26+s6] =	stream.strided.scatter [tilespmem:s13], [sflag:$0x8], $0xA800, s11, s6, $0x38;
	[tilespmem:$0x1C100] =	vst v63  }
0x1de: {  	s26 =	rddreg [dreg:$0x12]  }
0x1df: {  	[hbm4b:s26+s3] =	stream.linear.scatter [tilespmem:s2], [sflag:$0x8], $0x1C00, $0x38;
	[tilespmem:$0x1C100] =	vst v63  }
0x1e0: {  	s26 =	rddreg [dreg:$0x13]  }
0x1e1: {  	[hbm4b:s26+s12] =	stream.strided.scatter [tilespmem:s25], [sflag:$0x8], $0x1800, s11, s12, $0x38;
	[tilespmem:$0x1C100] =	vst v63  }
0x1e2: {  	s0 =	rddreg [dreg:$0x14];
	s26 =	simm.s32 $0x1BD00  }
0x1e3: {  	[hbm4b:s0+s3] =	stream.linear.scatter [tilespmem:s26], [sflag:$0x8], $0x400, $0x38;
	[tilespmem:$0x1C100] =	vst v63  }
0x1e4: {  	s26 =	simm.s32 $0x7  }
0x1e5: {  	_ =	swait.ge [sflag:s26], $0xA800  }
0x1e6: {  	[sflag:s26] =	ssyncset.done $0x0  }
0x1e7: {  	[sflag:s26] =	ssyncadd.s32 $0xFFFF5800  }
0x1e8: {  	_ =	swait.ge [sflag:s26], $0x1C00  }
0x1e9: {  	[sflag:s26] =	ssyncset.done $0x0  }
0x1ea: {  	[sflag:s26] =	ssyncadd.s32 $0xFFFFE400  }
0x1eb: {  	_ =	swait.ge [sflag:s26], $0x1800  }
0x1ec: {  	[sflag:s26] =	ssyncset.done $0x0  }
0x1ed: {  	[sflag:s26] =	ssyncadd.s32 $0xFFFFE800  }
0x1ee: {  	_ =	swait.ge [sflag:s26], $0x400  }
0x1ef: {  	[sflag:s26] =	ssyncset.done $0x0  }
0x1f0: {  	[sflag:s26] =	ssyncadd.s32 $0xFFFFFC00  }
0x1f1: {  	_ =	swait.ge [sflag:s19], $0xA800  }
0x1f2: {  	[sflag:s19] =	ssyncset.done $0x0  }
0x1f3: {  	[sflag:s19] =	ssyncadd.s32 $0xFFFF5800  }
0x1f4: {  	_ =	swait.ge [sflag:s19], $0x1C00  }
0x1f5: {  	[sflag:s19] =	ssyncset.done $0x0  }
0x1f6: {  	[sflag:s19] =	ssyncadd.s32 $0xFFFFE400  }
0x1f7: {  	_ =	swait.ge [sflag:s19], $0x1800  }
0x1f8: {  	[sflag:s19] =	ssyncset.done $0x0  }
0x1f9: {  	[sflag:s19] =	ssyncadd.s32 $0xFFFFE800  }
0x1fa: {  	_ =	swait.ge [sflag:s19], $0x400  }
0x1fb: {  	s0 =	rddreg [dreg:$0x17]  }
0x1fc: {  	s26 =	sadd.s32 $0x1, s0;
	s0 =	rddreg [dreg:$0x15]  }
0x1fd: {  	p0 =	sne.s32 s26, s0  }
.Ltmp1:
0x1fe: {  	_ = 	snop;
	(pc) =	sbr.rel @p0 .LBB2_1-.Ltmp1, $3  }
0x1ff: {  	_ =	sdelay $0x1  }
0x200: {  	[sflag:s19] =	ssyncset.done $0x0  }
0x201: {  	[sflag:s19] =	ssyncadd.s32 $0xFFFFFC00  }
0x202: {  	_ =	sfence.sel $0x180000  }
0x203: {  	[bflag:$0x0] =	sbarrier.arrive $0xFFFF  }
0x204: {  	_ =	strace $0x90000047  }
0x205: {  	s0 =	stileid.u32;
	[bflag:$0x2] =	sbarrier.arrive $0xFFFF  }
0x206: {  	p0 =	sne.s32 s0, $0x0;
	s0 =	rddreg [dreg:$0x2]  }
0x207: {  	s0 =	sadd.s32 @!p0 $0x100000, s0  }
0x208: {  	[sflag:s0] =	ssyncadd.tile.s32 @!p0 $0x1;
	_ =	shalt  }
.Lfunc_end2:
_tile_overlayer_lowered:
.L_overlay_start_2:
0x209: {  	(tag) =	ssettag $0x2  }
0x20a: {  	s0 =	rddreg [dreg:$0x0];
	s2 =	stileid.u32  }
0x20b: {  	s1 =	rddreg [dreg:$0x1];
	p0 =	sne.s32 s2, $0x0  }
0x20c: {  	s3 =	rddreg [dreg:$0x2];
	[bflag:$0x3] =	sbarrier.arrive $0xFFFF;
	s2 =	simm.s32 @!p0 $0x1C09  }
0x20d: {  	[timem:s3], [sflag:s2] =	dma.local @!p0 [hbm:s0], s1  }
0x20e: {  	s0 =	simm.s32 @!p0 $0x9  }
0x20f: {  	_ =	swait.ge @!p0 [sflag:s0], s1  }
0x210: {  	s1 =	ssub.s32 @!p0 $0x0, s1;
	[sflag:s0] =	ssyncset.done @!p0 $0x0  }
0x211: {  	[sflag:s0] =	ssyncadd.s32 @!p0 s1  }
0x212: {  	[bflag:$0x3] =	sbarrier.arrive $0xFFFF  }
0x213: {  	_ =	shalt  }

</sc_bundles>
